<compile_context>
chip_gen: v7x
topology: tpu7x:2x2x1
jax: 0.10.2.dev20260603
libtpu: 0.0.44.dev20260713+nightly
codegen_flags: <defaults>
</compile_context>

<pallas_src>
import jax
import jax.numpy as jnp
from jax import lax
from jax.experimental import pallas as pl
from jax.experimental.pallas import tpu as pltpu
from jax.experimental.pallas import tpu_sc as plsc

N_NODES = 10000
N_EDGES = 320000
D = 128
D_OUT = 64

NPAD = 10240
NCORES = 2
NSUB = 16
NW = NCORES * NSUB
CHUNK = 128
KC0 = 79
KC1 = 79
EPAD = NSUB * (KC0 + KC1) * CHUNK
ROWS_PER_SUB = NPAD // NSUB
LANES = 16


def _make_seg_sum(with_counts: bool):
  mesh = plsc.VectorSubcoreMesh(core_axis_name="c", subcore_axis_name="s")

  if with_counts:
    out_type = [jax.ShapeDtypeStruct((NCORES * NPAD, D), jnp.float32),
                jax.ShapeDtypeStruct((NCORES * NPAD,), jnp.float32)]
  else:
    out_type = jax.ShapeDtypeStruct((NCORES * NPAD, D), jnp.float32)

  scratch = [
      pltpu.VMEM((2, CHUNK), jnp.int32),
      pltpu.VMEM((CHUNK, D), jnp.float32),
      pltpu.VMEM_SHARED((NPAD, D), jnp.float32),
      pltpu.SemaphoreType.DMA,
      pltpu.SemaphoreType.DMA,
  ]
  if with_counts:
    scratch.append(pltpu.VMEM((CHUNK,), jnp.float32))
    scratch.append(pltpu.VMEM_SHARED((NPAD,), jnp.float32))

  def body(vals, idxp, zeros128, *rest):
    if with_counts:
      (out, cnt_out, idx2, rows, acc, sem, sem2, ones_v, accc) = rest
    else:
      (out, idx2, rows, acc, sem, sem2) = rest
    c = lax.axis_index("c")
    s = lax.axis_index("s")
    wid = c * NSUB + s
    nslab = ROWS_PER_SUB // CHUNK

    r0 = s * ROWS_PER_SUB
    pltpu.sync_copy(zeros128.at[pl.ds(r0, ROWS_PER_SUB)],
                    acc.at[pl.ds(r0, ROWS_PER_SUB)])
    if with_counts:
      for k in range(CHUNK // LANES):
        ones_v[pl.ds(k * LANES, LANES)] = jnp.zeros((LANES,), jnp.float32)
      for k in range(nslab):
        pltpu.sync_copy(ones_v, accc.at[pl.ds(r0 + k * CHUNK, CHUNK)])
      for k in range(CHUNK // LANES):
        ones_v[pl.ds(k * LANES, LANES)] = jnp.ones((LANES,), jnp.float32)
    plsc.subcore_barrier()

    cbase_me = jnp.where(c == 0, s * KC0, NSUB * KC0 + s * KC1)
    k_me = jnp.where(c == 0, KC0, KC1)

    half = CHUNK // 2

    def chunk_body(j, carry):
      pltpu.sync_copy(idxp.at[cbase_me + j], idx2)
      cp1 = pltpu.async_copy(vals.at[idx2.at[0, pl.ds(0, half)]],
                             rows.at[pl.ds(0, half)], sem)
      cp2 = pltpu.async_copy(vals.at[idx2.at[0, pl.ds(half, half)]],
                             rows.at[pl.ds(half, half)], sem2)
      cp1.wait()
      cp2.wait()
      pltpu.sync_copy(rows, acc.at[idx2.at[1]], add=True)
      if with_counts:
        pltpu.sync_copy(ones_v, accc.at[idx2.at[1]], add=True)
      return carry

    lax.fori_loop(0, k_me, chunk_body, 0)
    plsc.subcore_barrier()

    pltpu.sync_copy(acc.at[pl.ds(r0, ROWS_PER_SUB)],
                    out.at[pl.ds(c * NPAD + r0, ROWS_PER_SUB)])
    if with_counts:
      pltpu.sync_copy(accc.at[pl.ds(r0, ROWS_PER_SUB)],
                      cnt_out.at[pl.ds(c * NPAD + r0, ROWS_PER_SUB)])

  return pl.kernel(body, out_type=out_type, mesh=mesh, scratch_types=scratch)


_seg_sum_counts = _make_seg_sum(True)
_seg_sum = _make_seg_sum(False)

_BLK = 512
_GRID = NPAD // _BLK


def _mm1_body(x_ref, p_ref, c_ref, wl_ref, wr_ref, b_ref, o_ref):
  cnt = jnp.sum(c_ref[...], axis=1, keepdims=True)
  inv = 1.0 / jnp.maximum(cnt, 1.0)
  agg = (p_ref[0] + p_ref[1]) * inv
  h = (jnp.dot(x_ref[...], wl_ref[...], preferred_element_type=jnp.float32)
       + jnp.dot(agg, wr_ref[...], preferred_element_type=jnp.float32)
       + b_ref[...])
  o_ref[...] = jnp.maximum(h, 0.0)


def _mm2_body(h_ref, p_ref, c_ref, wl_ref, wr_ref, b_ref, wo_ref, bo_ref,
              o_ref):
  cnt = jnp.sum(c_ref[...], axis=1, keepdims=True)
  inv = 1.0 / jnp.maximum(cnt, 1.0)
  agg = (p_ref[0] + p_ref[1]) * inv
  h2 = (jnp.dot(h_ref[...], wl_ref[...], preferred_element_type=jnp.float32)
        + jnp.dot(agg, wr_ref[...], preferred_element_type=jnp.float32)
        + b_ref[...])
  o_ref[...] = (jnp.dot(h2, wo_ref[...], preferred_element_type=jnp.float32)
                + bo_ref[...])


def _row_spec(d):
  return pl.BlockSpec((_BLK, d), lambda i: (i, 0))


def _part_spec(d):
  return pl.BlockSpec((NCORES, _BLK, d), lambda i: (0, i, 0))


def _full_spec(r, d):
  return pl.BlockSpec((r, d), lambda i: (0, 0))


_mm1 = pl.pallas_call(
    _mm1_body,
    grid=(_GRID,),
    in_specs=[_row_spec(D), _part_spec(D), _row_spec(NCORES),
              _full_spec(D, D), _full_spec(D, D), _full_spec(1, D)],
    out_specs=_row_spec(D),
    out_shape=jax.ShapeDtypeStruct((NPAD, D), jnp.float32),
)

_mm2 = pl.pallas_call(
    _mm2_body,
    grid=(_GRID,),
    in_specs=[_row_spec(D), _part_spec(D), _row_spec(NCORES),
              _full_spec(D, D), _full_spec(D, D), _full_spec(1, D),
              _full_spec(D, D_OUT), _full_spec(1, D_OUT)],
    out_specs=_row_spec(D_OUT),
    out_shape=jax.ShapeDtypeStruct((NPAD, D_OUT), jnp.float32),
)


def kernel(x, edge_index, Wl1, Wr1, b1, Wl2, Wr2, b2, Wout, bout):
  src = edge_index[0].astype(jnp.int32)
  dst = edge_index[1].astype(jnp.int32)
  pad_e = EPAD - N_EDGES
  pad_idx = jnp.full((pad_e,), N_NODES, jnp.int32)
  src = jnp.concatenate([src, pad_idx]).reshape(-1, CHUNK)
  dst = jnp.concatenate([dst, pad_idx]).reshape(-1, CHUNK)
  idxp = jnp.stack([src, dst], axis=1)
  xp = jnp.pad(x, ((0, NPAD - N_NODES), (0, 0)))

  zeros128 = jnp.zeros((NPAD, D), jnp.float32)

  parts1, cflat = _seg_sum_counts(xp, idxp, zeros128)
  parts1 = parts1.reshape(NCORES, NPAD, D)
  cnt_t = cflat.reshape(NCORES, NPAD).T
  h = _mm1(xp, parts1, cnt_t, Wl1, Wr1, b1.reshape(1, D))
  parts2 = _seg_sum(h, idxp, zeros128).reshape(NCORES, NPAD, D)
  out = _mm2(h, parts2, cnt_t, Wl2, Wr2, b2.reshape(1, D),
             Wout, bout.reshape(1, D_OUT))
  return out[:N_NODES]

# --- scband reference (transcript-rebuilt; emitter-appended) ---
"""Pipeline reference for scband-graph-sage2-69286412419426 (READ-ONLY COPY).

The authoritative reference and input builder live on the scoring server;
editing this copy changes nothing except your own understanding.
"""

import jax, jax.numpy as jnp
import numpy as np

N_NODES = 10000
N_EDGES = 320000
D_IN = 128
D_HID = 128
D_EMB = 128
D_OUT = 64


def setup_inputs(seed: int = 0) -> dict:
    key = jax.random.key(seed)
    ks = jax.random.split(key, 12)
    x = jax.random.normal(ks[0], (N_NODES, D_IN), dtype=jnp.float32)
    edge_index = jax.random.randint(ks[1], (2, N_EDGES), 0, N_NODES, dtype=jnp.int64)
    s1 = 1.0 / np.sqrt(D_IN)
    s2 = 1.0 / np.sqrt(D_HID)
    s3 = 1.0 / np.sqrt(D_EMB)
    Wl1 = jax.random.normal(ks[2], (D_IN, D_HID), dtype=jnp.float32) * s1
    Wr1 = jax.random.normal(ks[3], (D_IN, D_HID), dtype=jnp.float32) * s1
    b1 = jnp.zeros((D_HID,), dtype=jnp.float32)
    Wl2 = jax.random.normal(ks[4], (D_HID, D_EMB), dtype=jnp.float32) * s2
    Wr2 = jax.random.normal(ks[5], (D_HID, D_EMB), dtype=jnp.float32) * s2
    b2 = jnp.zeros((D_EMB,), dtype=jnp.float32)
    Wout = jax.random.normal(ks[6], (D_EMB, D_OUT), dtype=jnp.float32) * s3
    bout = jnp.zeros((D_OUT,), dtype=jnp.float32)
    return {"x": x, "edge_index": edge_index, "Wl1": Wl1, "Wr1": Wr1, "b1": b1,
            "Wl2": Wl2, "Wr2": Wr2, "b2": b2, "Wout": Wout, "bout": bout}


def _sage_conv(x, edge_index, Wl, Wr, b):
    # PyG SAGEConv with aggr='mean': out_i = Wl @ x_i + Wr @ mean_{j in N(i)} x_j + b
    src = edge_index[0]
    dst = edge_index[1]
    n = x.shape[0]
    msgs = jnp.take(x, src, axis=0)
    agg_sum = jax.ops.segment_sum(msgs, dst, num_segments=n)
    cnt = jax.ops.segment_sum(jnp.ones((msgs.shape[0], 1), dtype=x.dtype), dst, num_segments=n)
    agg = agg_sum / jnp.maximum(cnt, 1.0)
    return x @ Wl + agg @ Wr + b


def reference(x, edge_index, Wl1, Wr1, b1, Wl2, Wr2, b2, Wout, bout):
    h = _sage_conv(x, edge_index, Wl1, Wr1, b1)
    h = jax.nn.relu(h)
    # dropout is identity in eval mode
    h = _sage_conv(h, edge_index, Wl2, Wr2, b2)
    out = h @ Wout + bout
    return out

if __name__ == "__main__":
    import jax
    _d = setup_inputs()
    print(jax.jit(kernel)(*tuple(_d.values())))

</pallas_src>

<mosaic_0001>
#map = affine_map<(d0, d1) -> (0, 0)>
#map1 = affine_map<(d0, d1) -> (0, 0, 0)>
#map2 = affine_map<(d0, d1) -> (0)>
module attributes {stable_mosaic.version = 14 : i64} {
  func.func @body(%arg0: i32, %arg1: i32, %arg2: memref<10240x128xf32, #tpu.memory_space<hbm>>, %arg3: memref<2528x2x128xi32, #tpu.memory_space<hbm>>, %arg4: memref<10240x128xf32, #tpu.memory_space<hbm>>, %arg5: memref<20480x128xf32, #tpu.memory_space<hbm>>, %arg6: memref<20480xf32, #tpu.memory_space<hbm>>, %arg7: memref<2x128xi32, #tpu.memory_space<vmem>>, %arg8: memref<128x128xf32, #tpu.memory_space<vmem>>, %arg9: memref<10240x128xf32, #tpu.memory_space<vmem_shared>>, %arg10: memref<!tpu.dma_semaphore, #tpu.memory_space<semaphore_mem>>, %arg11: memref<!tpu.dma_semaphore, #tpu.memory_space<semaphore_mem>>, %arg12: memref<128xf32, #tpu.memory_space<vmem>>, %arg13: memref<10240xf32, #tpu.memory_space<vmem_shared>>) attributes {dimension_semantics = [#tpu.dimension_semantics<core_parallel>, #tpu.dimension_semantics<subcore_parallel>], iteration_bounds = array<i64: 2, 16>, scalar_prefetch = 0 : i64, scratch_operands = 7 : i64, tpu.core_type = #tpu.core_type<sc_vector_subcore>, window_params = [{transform_indices = #map}, {transform_indices = #map1}, {transform_indices = #map}, {transform_indices = #map}, {transform_indices = #map2}]} {
    %mul3A = arith.constant 16 : i32
    %mul3A_0 = arith.muli %arg0, %mul3A : i32
    %add3A = arith.addi %mul3A_0, %arg1 : i32
    %mul3A_1 = arith.constant 640 : i32
    %mul3A_2 = arith.muli %arg1, %mul3A_1 : i32
    "tpu.region"() ({
      %run_scoped3A = tpu.sem_alloc : memref<!tpu.dma_semaphore, #tpu.memory_space<semaphore_mem>>
      %dma_start3A = arith.constant 0 : i32
      %dma_start3A_134 = tpu.memref_slice %arg9[%mul3A_2, %dma_start3A] : memref<10240x128xf32, #tpu.memory_space<vmem_shared>> -> memref<640x128xf32, #tpu.memory_space<vmem_shared>>
      %dma_start3A_135 = arith.constant 0 : i32
      %dma_start3A_136 = tpu.memref_slice %arg4[%mul3A_2, %dma_start3A_135] : memref<10240x128xf32, #tpu.memory_space<hbm>> -> memref<640x128xf32, #tpu.memory_space<hbm>>
      tpu.enqueue_dma source(%dma_start3A_136 : memref<640x128xf32, #tpu.memory_space<hbm>>) target(%dma_start3A_134 : memref<640x128xf32, #tpu.memory_space<vmem_shared>>) target_semaphore(%run_scoped3A : memref<!tpu.dma_semaphore, #tpu.memory_space<semaphore_mem>>)
      %dma_wait3A = arith.constant 0 : i32
      %dma_wait3A_137 = tpu.memref_slice %arg9[%mul3A_2, %dma_wait3A] : memref<10240x128xf32, #tpu.memory_space<vmem_shared>> -> memref<640x128xf32, #tpu.memory_space<vmem_shared>>
      %dma_wait3A_138 = arith.constant 0 : i32
      %dma_wait3A_139 = tpu.memref_slice %arg4[%mul3A_2, %dma_wait3A_138] : memref<10240x128xf32, #tpu.memory_space<hbm>> -> memref<640x128xf32, #tpu.memory_space<hbm>>
      tpu.wait_dma2 semaphore(%run_scoped3A : memref<!tpu.dma_semaphore, #tpu.memory_space<semaphore_mem>>) src(%dma_wait3A_139 : memref<640x128xf32, #tpu.memory_space<hbm>>) dst(%dma_wait3A_137 : memref<640x128xf32, #tpu.memory_space<vmem_shared>>)
      tpu.yield
    }) : () -> ()
    %broadcast_in_dim3A = arith.constant 0.000000e+00 : f32
    %broadcast_in_dim3A_3 = vector.broadcast %broadcast_in_dim3A : f32 to vector<16xf32>
    %swap3A = arith.constant 0 : index
    %swap3A_4 = tpu.vector_load %arg12[%swap3A] {strides = array<i32>} : memref<128xf32, #tpu.memory_space<vmem>>, vector<16xf32>,
    %swap3A_5 = vector.shape_cast %swap3A_4 : vector<16xf32> to vector<16xf32>
    %swap3A_6 = vector.shape_cast %broadcast_in_dim3A_3 : vector<16xf32> to vector<16xf32>
    tpu.vector_store %arg12[%swap3A], %swap3A_6 {strides = array<i32>} : memref<128xf32, #tpu.memory_space<vmem>>, vector<16xf32>,
    %broadcast_in_dim3A_7 = arith.constant 0.000000e+00 : f32
    %broadcast_in_dim3A_8 = vector.broadcast %broadcast_in_dim3A_7 : f32 to vector<16xf32>
    %swap3A_9 = arith.constant 16 : index
    %swap3A_10 = tpu.vector_load %arg12[%swap3A_9] {strides = array<i32>} : memref<128xf32, #tpu.memory_space<vmem>>, vector<16xf32>,
    %swap3A_11 = vector.shape_cast %swap3A_10 : vector<16xf32> to vector<16xf32>
    %swap3A_12 = vector.shape_cast %broadcast_in_dim3A_8 : vector<16xf32> to vector<16xf32>
    tpu.vector_store %arg12[%swap3A_9], %swap3A_12 {strides = array<i32>} : memref<128xf32, #tpu.memory_space<vmem>>, vector<16xf32>,
    %broadcast_in_dim3A_13 = arith.constant 0.000000e+00 : f32
    %broadcast_in_dim3A_14 = vector.broadcast %broadcast_in_dim3A_13 : f32 to vector<16xf32>
    %swap3A_15 = arith.constant 32 : index
    %swap3A_16 = tpu.vector_load %arg12[%swap3A_15] {strides = array<i32>} : memref<128xf32, #tpu.memory_space<vmem>>, vector<16xf32>,
    %swap3A_17 = vector.shape_cast %swap3A_16 : vector<16xf32> to vector<16xf32>
    %swap3A_18 = vector.shape_cast %broadcast_in_dim3A_14 : vector<16xf32> to vector<16xf32>
    tpu.vector_store %arg12[%swap3A_15], %swap3A_18 {strides = array<i32>} : memref<128xf32, #tpu.memory_space<vmem>>, vector<16xf32>,
    %broadcast_in_dim3A_19 = arith.constant 0.000000e+00 : f32
    %broadcast_in_dim3A_20 = vector.broadcast %broadcast_in_dim3A_19 : f32 to vector<16xf32>
    %swap3A_21 = arith.constant 48 : index
    %swap3A_22 = tpu.vector_load %arg12[%swap3A_21] {strides = array<i32>} : memref<128xf32, #tpu.memory_space<vmem>>, vector<16xf32>,
    %swap3A_23 = vector.shape_cast %swap3A_22 : vector<16xf32> to vector<16xf32>
    %swap3A_24 = vector.shape_cast %broadcast_in_dim3A_20 : vector<16xf32> to vector<16xf32>
    tpu.vector_store %arg12[%swap3A_21], %swap3A_24 {strides = array<i32>} : memref<128xf32, #tpu.memory_space<vmem>>, vector<16xf32>,
    %broadcast_in_dim3A_25 = arith.constant 0.000000e+00 : f32
    %broadcast_in_dim3A_26 = vector.broadcast %broadcast_in_dim3A_25 : f32 to vector<16xf32>
    %swap3A_27 = arith.constant 64 : index
    %swap3A_28 = tpu.vector_load %arg12[%swap3A_27] {strides = array<i32>} : memref<128xf32, #tpu.memory_space<vmem>>, vector<16xf32>,
    %swap3A_29 = vector.shape_cast %swap3A_28 : vector<16xf32> to vector<16xf32>
    %swap3A_30 = vector.shape_cast %broadcast_in_dim3A_26 : vector<16xf32> to vector<16xf32>
    tpu.vector_store %arg12[%swap3A_27], %swap3A_30 {strides = array<i32>} : memref<128xf32, #tpu.memory_space<vmem>>, vector<16xf32>,
    %broadcast_in_dim3A_31 = arith.constant 0.000000e+00 : f32
    %broadcast_in_dim3A_32 = vector.broadcast %broadcast_in_dim3A_31 : f32 to vector<16xf32>
    %swap3A_33 = arith.constant 80 : index
    %swap3A_34 = tpu.vector_load %arg12[%swap3A_33] {strides = array<i32>} : memref<128xf32, #tpu.memory_space<vmem>>, vector<16xf32>,
    %swap3A_35 = vector.shape_cast %swap3A_34 : vector<16xf32> to vector<16xf32>
    %swap3A_36 = vector.shape_cast %broadcast_in_dim3A_32 : vector<16xf32> to vector<16xf32>
    tpu.vector_store %arg12[%swap3A_33], %swap3A_36 {strides = array<i32>} : memref<128xf32, #tpu.memory_space<vmem>>, vector<16xf32>,
    %broadcast_in_dim3A_37 = arith.constant 0.000000e+00 : f32
    %broadcast_in_dim3A_38 = vector.broadcast %broadcast_in_dim3A_37 : f32 to vector<16xf32>
    %swap3A_39 = arith.constant 96 : index
    %swap3A_40 = tpu.vector_load %arg12[%swap3A_39] {strides = array<i32>} : memref<128xf32, #tpu.memory_space<vmem>>, vector<16xf32>,
    %swap3A_41 = vector.shape_cast %swap3A_40 : vector<16xf32> to vector<16xf32>
    %swap3A_42 = vector.shape_cast %broadcast_in_dim3A_38 : vector<16xf32> to vector<16xf32>
    tpu.vector_store %arg12[%swap3A_39], %swap3A_42 {strides = array<i32>} : memref<128xf32, #tpu.memory_space<vmem>>, vector<16xf32>,
    %broadcast_in_dim3A_43 = arith.constant 0.000000e+00 : f32
    %broadcast_in_dim3A_44 = vector.broadcast %broadcast_in_dim3A_43 : f32 to vector<16xf32>
    %swap3A_45 = arith.constant 112 : index
    %swap3A_46 = tpu.vector_load %arg12[%swap3A_45] {strides = array<i32>} : memref<128xf32, #tpu.memory_space<vmem>>, vector<16xf32>,
    %swap3A_47 = vector.shape_cast %swap3A_46 : vector<16xf32> to vector<16xf32>
    %swap3A_48 = vector.shape_cast %broadcast_in_dim3A_44 : vector<16xf32> to vector<16xf32>
    tpu.vector_store %arg12[%swap3A_45], %swap3A_48 {strides = array<i32>} : memref<128xf32, #tpu.memory_space<vmem>>, vector<16xf32>,
    %add3A_49 = arith.constant 0 : i32
    %add3A_50 = arith.addi %mul3A_2, %add3A_49 : i32
    "tpu.region"() ({
      %run_scoped3A = tpu.sem_alloc : memref<!tpu.dma_semaphore, #tpu.memory_space<semaphore_mem>>
      %dma_start3A = tpu.memref_slice %arg13[%add3A_50] : memref<10240xf32, #tpu.memory_space<vmem_shared>> -> memref<128xf32, #tpu.memory_space<vmem_shared>>
      %dma_start3A_134 = tpu.memref_slice %arg13[%add3A_50] : memref<10240xf32, #tpu.memory_space<vmem_shared>> -> memref<128xf32, #tpu.memory_space<vmem_shared>>
      tpu.enqueue_dma source(%arg12 : memref<128xf32, #tpu.memory_space<vmem>>) target(%dma_start3A_134 : memref<128xf32, #tpu.memory_space<vmem_shared>>) target_semaphore(%run_scoped3A : memref<!tpu.dma_semaphore, #tpu.memory_space<semaphore_mem>>)
      %dma_wait3A = tpu.memref_slice %arg13[%add3A_50] : memref<10240xf32, #tpu.memory_space<vmem_shared>> -> memref<128xf32, #tpu.memory_space<vmem_shared>>
      %dma_wait3A_135 = tpu.memref_slice %arg13[%add3A_50] : memref<10240xf32, #tpu.memory_space<vmem_shared>> -> memref<128xf32, #tpu.memory_space<vmem_shared>>
      tpu.wait_dma2 semaphore(%run_scoped3A : memref<!tpu.dma_semaphore, #tpu.memory_space<semaphore_mem>>) src(%arg12 : memref<128xf32, #tpu.memory_space<vmem>>) dst(%dma_wait3A_135 : memref<128xf32, #tpu.memory_space<vmem_shared>>)
      tpu.yield
    }) : () -> ()
    %add3A_51 = arith.constant 128 : i32
    %add3A_52 = arith.addi %mul3A_2, %add3A_51 : i32
    "tpu.region"() ({
      %run_scoped3A = tpu.sem_alloc : memref<!tpu.dma_semaphore, #tpu.memory_space<semaphore_mem>>
      %dma_start3A = tpu.memref_slice %arg13[%add3A_52] : memref<10240xf32, #tpu.memory_space<vmem_shared>> -> memref<128xf32, #tpu.memory_space<vmem_shared>>
      %dma_start3A_134 = tpu.memref_slice %arg13[%add3A_52] : memref<10240xf32, #tpu.memory_space<vmem_shared>> -> memref<128xf32, #tpu.memory_space<vmem_shared>>
      tpu.enqueue_dma source(%arg12 : memref<128xf32, #tpu.memory_space<vmem>>) target(%dma_start3A_134 : memref<128xf32, #tpu.memory_space<vmem_shared>>) target_semaphore(%run_scoped3A : memref<!tpu.dma_semaphore, #tpu.memory_space<semaphore_mem>>)
      %dma_wait3A = tpu.memref_slice %arg13[%add3A_52] : memref<10240xf32, #tpu.memory_space<vmem_shared>> -> memref<128xf32, #tpu.memory_space<vmem_shared>>
      %dma_wait3A_135 = tpu.memref_slice %arg13[%add3A_52] : memref<10240xf32, #tpu.memory_space<vmem_shared>> -> memref<128xf32, #tpu.memory_space<vmem_shared>>
      tpu.wait_dma2 semaphore(%run_scoped3A : memref<!tpu.dma_semaphore, #tpu.memory_space<semaphore_mem>>) src(%arg12 : memref<128xf32, #tpu.memory_space<vmem>>) dst(%dma_wait3A_135 : memref<128xf32, #tpu.memory_space<vmem_shared>>)
      tpu.yield
    }) : () -> ()
    %add3A_53 = arith.constant 256 : i32
    %add3A_54 = arith.addi %mul3A_2, %add3A_53 : i32
    "tpu.region"() ({
      %run_scoped3A = tpu.sem_alloc : memref<!tpu.dma_semaphore, #tpu.memory_space<semaphore_mem>>
      %dma_start3A = tpu.memref_slice %arg13[%add3A_54] : memref<10240xf32, #tpu.memory_space<vmem_shared>> -> memref<128xf32, #tpu.memory_space<vmem_shared>>
      %dma_start3A_134 = tpu.memref_slice %arg13[%add3A_54] : memref<10240xf32, #tpu.memory_space<vmem_shared>> -> memref<128xf32, #tpu.memory_space<vmem_shared>>
      tpu.enqueue_dma source(%arg12 : memref<128xf32, #tpu.memory_space<vmem>>) target(%dma_start3A_134 : memref<128xf32, #tpu.memory_space<vmem_shared>>) target_semaphore(%run_scoped3A : memref<!tpu.dma_semaphore, #tpu.memory_space<semaphore_mem>>)
      %dma_wait3A = tpu.memref_slice %arg13[%add3A_54] : memref<10240xf32, #tpu.memory_space<vmem_shared>> -> memref<128xf32, #tpu.memory_space<vmem_shared>>
      %dma_wait3A_135 = tpu.memref_slice %arg13[%add3A_54] : memref<10240xf32, #tpu.memory_space<vmem_shared>> -> memref<128xf32, #tpu.memory_space<vmem_shared>>
      tpu.wait_dma2 semaphore(%run_scoped3A : memref<!tpu.dma_semaphore, #tpu.memory_space<semaphore_mem>>) src(%arg12 : memref<128xf32, #tpu.memory_space<vmem>>) dst(%dma_wait3A_135 : memref<128xf32, #tpu.memory_space<vmem_shared>>)
      tpu.yield
    }) : () -> ()
    %add3A_55 = arith.constant 384 : i32
    %add3A_56 = arith.addi %mul3A_2, %add3A_55 : i32
    "tpu.region"() ({
      %run_scoped3A = tpu.sem_alloc : memref<!tpu.dma_semaphore, #tpu.memory_space<semaphore_mem>>
      %dma_start3A = tpu.memref_slice %arg13[%add3A_56] : memref<10240xf32, #tpu.memory_space<vmem_shared>> -> memref<128xf32, #tpu.memory_space<vmem_shared>>
      %dma_start3A_134 = tpu.memref_slice %arg13[%add3A_56] : memref<10240xf32, #tpu.memory_space<vmem_shared>> -> memref<128xf32, #tpu.memory_space<vmem_shared>>
      tpu.enqueue_dma source(%arg12 : memref<128xf32, #tpu.memory_space<vmem>>) target(%dma_start3A_134 : memref<128xf32, #tpu.memory_space<vmem_shared>>) target_semaphore(%run_scoped3A : memref<!tpu.dma_semaphore, #tpu.memory_space<semaphore_mem>>)
      %dma_wait3A = tpu.memref_slice %arg13[%add3A_56] : memref<10240xf32, #tpu.memory_space<vmem_shared>> -> memref<128xf32, #tpu.memory_space<vmem_shared>>
      %dma_wait3A_135 = tpu.memref_slice %arg13[%add3A_56] : memref<10240xf32, #tpu.memory_space<vmem_shared>> -> memref<128xf32, #tpu.memory_space<vmem_shared>>
      tpu.wait_dma2 semaphore(%run_scoped3A : memref<!tpu.dma_semaphore, #tpu.memory_space<semaphore_mem>>) src(%arg12 : memref<128xf32, #tpu.memory_space<vmem>>) dst(%dma_wait3A_135 : memref<128xf32, #tpu.memory_space<vmem_shared>>)
      tpu.yield
    }) : () -> ()
    %add3A_57 = arith.constant 512 : i32
    %add3A_58 = arith.addi %mul3A_2, %add3A_57 : i32
    "tpu.region"() ({
      %run_scoped3A = tpu.sem_alloc : memref<!tpu.dma_semaphore, #tpu.memory_space<semaphore_mem>>
      %dma_start3A = tpu.memref_slice %arg13[%add3A_58] : memref<10240xf32, #tpu.memory_space<vmem_shared>> -> memref<128xf32, #tpu.memory_space<vmem_shared>>
      %dma_start3A_134 = tpu.memref_slice %arg13[%add3A_58] : memref<10240xf32, #tpu.memory_space<vmem_shared>> -> memref<128xf32, #tpu.memory_space<vmem_shared>>
      tpu.enqueue_dma source(%arg12 : memref<128xf32, #tpu.memory_space<vmem>>) target(%dma_start3A_134 : memref<128xf32, #tpu.memory_space<vmem_shared>>) target_semaphore(%run_scoped3A : memref<!tpu.dma_semaphore, #tpu.memory_space<semaphore_mem>>)
      %dma_wait3A = tpu.memref_slice %arg13[%add3A_58] : memref<10240xf32, #tpu.memory_space<vmem_shared>> -> memref<128xf32, #tpu.memory_space<vmem_shared>>
      %dma_wait3A_135 = tpu.memref_slice %arg13[%add3A_58] : memref<10240xf32, #tpu.memory_space<vmem_shared>> -> memref<128xf32, #tpu.memory_space<vmem_shared>>
      tpu.wait_dma2 semaphore(%run_scoped3A : memref<!tpu.dma_semaphore, #tpu.memory_space<semaphore_mem>>) src(%arg12 : memref<128xf32, #tpu.memory_space<vmem>>) dst(%dma_wait3A_135 : memref<128xf32, #tpu.memory_space<vmem_shared>>)
      tpu.yield
    }) : () -> ()
    %broadcast_in_dim3A_59 = arith.constant 1.000000e+00 : f32
    %broadcast_in_dim3A_60 = vector.broadcast %broadcast_in_dim3A_59 : f32 to vector<16xf32>
    %swap3A_61 = arith.constant 0 : index
    %swap3A_62 = tpu.vector_load %arg12[%swap3A_61] {strides = array<i32>} : memref<128xf32, #tpu.memory_space<vmem>>, vector<16xf32>,
    %swap3A_63 = vector.shape_cast %swap3A_62 : vector<16xf32> to vector<16xf32>
    %swap3A_64 = vector.shape_cast %broadcast_in_dim3A_60 : vector<16xf32> to vector<16xf32>
    tpu.vector_store %arg12[%swap3A_61], %swap3A_64 {strides = array<i32>} : memref<128xf32, #tpu.memory_space<vmem>>, vector<16xf32>,
    %broadcast_in_dim3A_65 = arith.constant 1.000000e+00 : f32
    %broadcast_in_dim3A_66 = vector.broadcast %broadcast_in_dim3A_65 : f32 to vector<16xf32>
    %swap3A_67 = arith.constant 16 : index
    %swap3A_68 = tpu.vector_load %arg12[%swap3A_67] {strides = array<i32>} : memref<128xf32, #tpu.memory_space<vmem>>, vector<16xf32>,
    %swap3A_69 = vector.shape_cast %swap3A_68 : vector<16xf32> to vector<16xf32>
    %swap3A_70 = vector.shape_cast %broadcast_in_dim3A_66 : vector<16xf32> to vector<16xf32>
    tpu.vector_store %arg12[%swap3A_67], %swap3A_70 {strides = array<i32>} : memref<128xf32, #tpu.memory_space<vmem>>, vector<16xf32>,
    %broadcast_in_dim3A_71 = arith.constant 1.000000e+00 : f32
    %broadcast_in_dim3A_72 = vector.broadcast %broadcast_in_dim3A_71 : f32 to vector<16xf32>
    %swap3A_73 = arith.constant 32 : index
    %swap3A_74 = tpu.vector_load %arg12[%swap3A_73] {strides = array<i32>} : memref<128xf32, #tpu.memory_space<vmem>>, vector<16xf32>,
    %swap3A_75 = vector.shape_cast %swap3A_74 : vector<16xf32> to vector<16xf32>
    %swap3A_76 = vector.shape_cast %broadcast_in_dim3A_72 : vector<16xf32> to vector<16xf32>
    tpu.vector_store %arg12[%swap3A_73], %swap3A_76 {strides = array<i32>} : memref<128xf32, #tpu.memory_space<vmem>>, vector<16xf32>,
    %broadcast_in_dim3A_77 = arith.constant 1.000000e+00 : f32
    %broadcast_in_dim3A_78 = vector.broadcast %broadcast_in_dim3A_77 : f32 to vector<16xf32>
    %swap3A_79 = arith.constant 48 : index
    %swap3A_80 = tpu.vector_load %arg12[%swap3A_79] {strides = array<i32>} : memref<128xf32, #tpu.memory_space<vmem>>, vector<16xf32>,
    %swap3A_81 = vector.shape_cast %swap3A_80 : vector<16xf32> to vector<16xf32>
    %swap3A_82 = vector.shape_cast %broadcast_in_dim3A_78 : vector<16xf32> to vector<16xf32>
    tpu.vector_store %arg12[%swap3A_79], %swap3A_82 {strides = array<i32>} : memref<128xf32, #tpu.memory_space<vmem>>, vector<16xf32>,
    %broadcast_in_dim3A_83 = arith.constant 1.000000e+00 : f32
    %broadcast_in_dim3A_84 = vector.broadcast %broadcast_in_dim3A_83 : f32 to vector<16xf32>
    %swap3A_85 = arith.constant 64 : index
    %swap3A_86 = tpu.vector_load %arg12[%swap3A_85] {strides = array<i32>} : memref<128xf32, #tpu.memory_space<vmem>>, vector<16xf32>,
    %swap3A_87 = vector.shape_cast %swap3A_86 : vector<16xf32> to vector<16xf32>
    %swap3A_88 = vector.shape_cast %broadcast_in_dim3A_84 : vector<16xf32> to vector<16xf32>
    tpu.vector_store %arg12[%swap3A_85], %swap3A_88 {strides = array<i32>} : memref<128xf32, #tpu.memory_space<vmem>>, vector<16xf32>,
    %broadcast_in_dim3A_89 = arith.constant 1.000000e+00 : f32
    %broadcast_in_dim3A_90 = vector.broadcast %broadcast_in_dim3A_89 : f32 to vector<16xf32>
    %swap3A_91 = arith.constant 80 : index
    %swap3A_92 = tpu.vector_load %arg12[%swap3A_91] {strides = array<i32>} : memref<128xf32, #tpu.memory_space<vmem>>, vector<16xf32>,
    %swap3A_93 = vector.shape_cast %swap3A_92 : vector<16xf32> to vector<16xf32>
    %swap3A_94 = vector.shape_cast %broadcast_in_dim3A_90 : vector<16xf32> to vector<16xf32>
    tpu.vector_store %arg12[%swap3A_91], %swap3A_94 {strides = array<i32>} : memref<128xf32, #tpu.memory_space<vmem>>, vector<16xf32>,
    %broadcast_in_dim3A_95 = arith.constant 1.000000e+00 : f32
    %broadcast_in_dim3A_96 = vector.broadcast %broadcast_in_dim3A_95 : f32 to vector<16xf32>
    %swap3A_97 = arith.constant 96 : index
    %swap3A_98 = tpu.vector_load %arg12[%swap3A_97] {strides = array<i32>} : memref<128xf32, #tpu.memory_space<vmem>>, vector<16xf32>,
    %swap3A_99 = vector.shape_cast %swap3A_98 : vector<16xf32> to vector<16xf32>
    %swap3A_100 = vector.shape_cast %broadcast_in_dim3A_96 : vector<16xf32> to vector<16xf32>
    tpu.vector_store %arg12[%swap3A_97], %swap3A_100 {strides = array<i32>} : memref<128xf32, #tpu.memory_space<vmem>>, vector<16xf32>,
    %broadcast_in_dim3A_101 = arith.constant 1.000000e+00 : f32
    %broadcast_in_dim3A_102 = vector.broadcast %broadcast_in_dim3A_101 : f32 to vector<16xf32>
    %swap3A_103 = arith.constant 112 : index
    %swap3A_104 = tpu.vector_load %arg12[%swap3A_103] {strides = array<i32>} : memref<128xf32, #tpu.memory_space<vmem>>, vector<16xf32>,
    %swap3A_105 = vector.shape_cast %swap3A_104 : vector<16xf32> to vector<16xf32>
    %swap3A_106 = vector.shape_cast %broadcast_in_dim3A_102 : vector<16xf32> to vector<16xf32>
    tpu.vector_store %arg12[%swap3A_103], %swap3A_106 {strides = array<i32>} : memref<128xf32, #tpu.memory_space<vmem>>, vector<16xf32>,
    %barrier3A = arith.constant 0 : index
    tpu.barrier barrier_id(%barrier3A)
    %eq3A = arith.constant 0 : i32
    %eq3A_107 = arith.cmpi eq, %arg0, %eq3A : i32
    %mul3A_108 = arith.constant 79 : i32
    %mul3A_109 = arith.muli %arg1, %mul3A_108 : i32
    %mul3A_110 = arith.constant 79 : i32
    %mul3A_111 = arith.muli %arg1, %mul3A_110 : i32
    %add3A_112 = arith.constant 1264 : i32
    %add3A_113 = arith.addi %add3A_112, %mul3A_111 : i32
    %select_n3A = arith.select %eq3A_107, %mul3A_109, %add3A_113 : i32
    %eq3A_114 = arith.constant 0 : i32
    %eq3A_115 = arith.cmpi eq, %arg0, %eq3A_114 : i32
    %jit3A = arith.constant 79 : i32
    %jit3A_116 = arith.constant 79 : i32
    %select_n3A_117 = arith.select %eq3A_115, %jit3A, %jit3A_116 : i32
    %while3A = arith.constant 0 : i32
    %while3A_118 = arith.constant 0 : i32
    %while3A_119 = arith.subi %select_n3A_117, %while3A_118 : i32
    %while3A_120 = arith.addi %while3A_118, %while3A_119 : i32
    %while3A_121 = arith.constant 1 : i32
    %while3A_122 = arith.divsi %while3A_119, %while3A_121 : i32
    %while3A_123 = arith.muli %while3A_122, %while3A_121 : i32
    %while3A_124 = arith.addi %while3A_118, %while3A_123 : i32
    %while3A_125 = arith.constant 1 : i32
    scf.for %while3A_134 = %while3A_118 to %while3A_124 step %while3A_125  : i32 {
      %add3A_135 = arith.addi %select_n3A, %while3A_134 : i32
      "tpu.region"() ({
        %run_scoped3A_175 = tpu.sem_alloc : memref<!tpu.dma_semaphore, #tpu.memory_space<semaphore_mem>>
        %dma_start3A_176 = arith.constant 0 : i32
        %dma_start3A_177 = arith.constant 0 : i32
        %dma_start3A_178 = tpu.memref_slice %arg3[%add3A_135, %dma_start3A_176, %dma_start3A_177] : memref<2528x2x128xi32, #tpu.memory_space<hbm>> -> memref<1x2x128xi32, #tpu.memory_space<hbm>>
        %dma_start3A_179 = tpu.memref_squeeze %dma_start3A_178 : memref<1x2x128xi32, #tpu.memory_space<hbm>> -> memref<2x128xi32, #tpu.memory_space<hbm>>
        %dma_start3A_180 = arith.constant 0 : i32
        %dma_start3A_181 = arith.constant 0 : i32
        %dma_start3A_182 = tpu.memref_slice %arg3[%add3A_135, %dma_start3A_180, %dma_start3A_181] : memref<2528x2x128xi32, #tpu.memory_space<hbm>> -> memref<1x2x128xi32, #tpu.memory_space<hbm>>
        %dma_start3A_183 = tpu.memref_squeeze %dma_start3A_182 : memref<1x2x128xi32, #tpu.memory_space<hbm>> -> memref<2x128xi32, #tpu.memory_space<hbm>>
        tpu.enqueue_dma source(%dma_start3A_183 : memref<2x128xi32, #tpu.memory_space<hbm>>) target(%arg7 : memref<2x128xi32, #tpu.memory_space<vmem>>) target_semaphore(%run_scoped3A_175 : memref<!tpu.dma_semaphore, #tpu.memory_space<semaphore_mem>>)
        %dma_wait3A_184 = arith.constant 0 : i32
        %dma_wait3A_185 = arith.constant 0 : i32
        %dma_wait3A_186 = tpu.memref_slice %arg3[%add3A_135, %dma_wait3A_184, %dma_wait3A_185] : memref<2528x2x128xi32, #tpu.memory_space<hbm>> -> memref<1x2x128xi32, #tpu.memory_space<hbm>>
        %dma_wait3A_187 = tpu.memref_squeeze %dma_wait3A_186 : memref<1x2x128xi32, #tpu.memory_space<hbm>> -> memref<2x128xi32, #tpu.memory_space<hbm>>
        %dma_wait3A_188 = arith.constant 0 : i32
        %dma_wait3A_189 = arith.constant 0 : i32
        %dma_wait3A_190 = tpu.memref_slice %arg3[%add3A_135, %dma_wait3A_188, %dma_wait3A_189] : memref<2528x2x128xi32, #tpu.memory_space<hbm>> -> memref<1x2x128xi32, #tpu.memory_space<hbm>>
        %dma_wait3A_191 = tpu.memref_squeeze %dma_wait3A_190 : memref<1x2x128xi32, #tpu.memory_space<hbm>> -> memref<2x128xi32, #tpu.memory_space<hbm>>
        tpu.wait_dma2 semaphore(%run_scoped3A_175 : memref<!tpu.dma_semaphore, #tpu.memory_space<semaphore_mem>>) src(%dma_wait3A_191 : memref<2x128xi32, #tpu.memory_space<hbm>>) dst(%arg7 : memref<2x128xi32, #tpu.memory_space<vmem>>)
        tpu.yield
      }) : () -> ()
      %dma_start3A = arith.constant 0 : i32
      %dma_start3A_136 = arith.constant 0 : i32
      %dma_start3A_137 = arith.constant 0 : i32
      %dma_start3A_138 = tpu.memref_slice %arg8[%dma_start3A_136, %dma_start3A_137] : memref<128x128xf32, #tpu.memory_space<vmem>> -> memref<64x128xf32, #tpu.memory_space<vmem>>
      %dma_start3A_139 = arith.constant 0 : i32
      %dma_start3A_140 = tpu.memref_slice %arg7[%dma_start3A, %dma_start3A_139] : memref<2x128xi32, #tpu.memory_space<vmem>> -> memref<1x64xi32, #tpu.memory_space<vmem>>
      %dma_start3A_141 = tpu.memref_squeeze %dma_start3A_140 : memref<1x64xi32, #tpu.memory_space<vmem>> -> memref<64xi32, #tpu.memory_space<vmem>>
      %dma_start3A_142 = arith.constant 0 : i32
      %dma_start3A_143 = arith.constant 0 : i32
      %dma_start3A_144 = tpu.memref_slice %arg2[%dma_start3A_142, %dma_start3A_143] : memref<10240x128xf32, #tpu.memory_space<hbm>> -> memref<10240x128xf32, #tpu.memory_space<hbm>>
      tpu.enqueue_indirect_dma source(%dma_start3A_144 : memref<10240x128xf32, #tpu.memory_space<hbm>>) target(%dma_start3A_138 : memref<64x128xf32, #tpu.memory_space<vmem>>) offsets(%dma_start3A_141 : memref<64xi32, #tpu.memory_space<vmem>>) semaphore(%arg10 : memref<!tpu.dma_semaphore, #tpu.memory_space<semaphore_mem>>)
      %dma_start3A_145 = arith.constant 0 : i32
      %dma_start3A_146 = arith.constant 64 : i32
      %dma_start3A_147 = arith.constant 0 : i32
      %dma_start3A_148 = tpu.memref_slice %arg8[%dma_start3A_146, %dma_start3A_147] : memref<128x128xf32, #tpu.memory_space<vmem>> -> memref<64x128xf32, #tpu.memory_space<vmem>>
      %dma_start3A_149 = arith.constant 64 : i32
      %dma_start3A_150 = tpu.memref_slice %arg7[%dma_start3A_145, %dma_start3A_149] : memref<2x128xi32, #tpu.memory_space<vmem>> -> memref<1x64xi32, #tpu.memory_space<vmem>>
      %dma_start3A_151 = tpu.memref_squeeze %dma_start3A_150 : memref<1x64xi32, #tpu.memory_space<vmem>> -> memref<64xi32, #tpu.memory_space<vmem>>
      %dma_start3A_152 = arith.constant 0 : i32
      %dma_start3A_153 = arith.constant 0 : i32
      %dma_start3A_154 = tpu.memref_slice %arg2[%dma_start3A_152, %dma_start3A_153] : memref<10240x128xf32, #tpu.memory_space<hbm>> -> memref<10240x128xf32, #tpu.memory_space<hbm>>
      tpu.enqueue_indirect_dma source(%dma_start3A_154 : memref<10240x128xf32, #tpu.memory_space<hbm>>) target(%dma_start3A_148 : memref<64x128xf32, #tpu.memory_space<vmem>>) offsets(%dma_start3A_151 : memref<64xi32, #tpu.memory_space<vmem>>) semaphore(%arg11 : memref<!tpu.dma_semaphore, #tpu.memory_space<semaphore_mem>>)
      %dma_wait3A = arith.constant 0 : i32
      %dma_wait3A_155 = arith.constant 0 : i32
      %dma_wait3A_156 = arith.constant 0 : i32
      %dma_wait3A_157 = tpu.memref_slice %arg8[%dma_wait3A_155, %dma_wait3A_156] : memref<128x128xf32, #tpu.memory_space<vmem>> -> memref<64x128xf32, #tpu.memory_space<vmem>>
      %dma_wait3A_158 = arith.constant 0 : i32
      %dma_wait3A_159 = tpu.memref_slice %arg7[%dma_wait3A, %dma_wait3A_158] : memref<2x128xi32, #tpu.memory_space<vmem>> -> memref<1x64xi32, #tpu.memory_space<vmem>>
      %dma_wait3A_160 = tpu.memref_squeeze %dma_wait3A_159 : memref<1x64xi32, #tpu.memory_space<vmem>> -> memref<64xi32, #tpu.memory_space<vmem>>
      %dma_wait3A_161 = arith.constant 0 : i32
      %dma_wait3A_162 = arith.constant 0 : i32
      %dma_wait3A_163 = tpu.memref_slice %arg2[%dma_wait3A_161, %dma_wait3A_162] : memref<10240x128xf32, #tpu.memory_space<hbm>> -> memref<10240x128xf32, #tpu.memory_space<hbm>>
      tpu.wait_indirect_dma semaphore(%arg10 : memref<!tpu.dma_semaphore, #tpu.memory_space<semaphore_mem>>) src(%dma_wait3A_163 : memref<10240x128xf32, #tpu.memory_space<hbm>>) dst(%dma_wait3A_157 : memref<64x128xf32, #tpu.memory_space<vmem>>)
      %dma_wait3A_164 = arith.constant 0 : i32
      %dma_wait3A_165 = arith.constant 64 : i32
      %dma_wait3A_166 = arith.constant 0 : i32
      %dma_wait3A_167 = tpu.memref_slice %arg8[%dma_wait3A_165, %dma_wait3A_166] : memref<128x128xf32, #tpu.memory_space<vmem>> -> memref<64x128xf32, #tpu.memory_space<vmem>>
      %dma_wait3A_168 = arith.constant 64 : i32
      %dma_wait3A_169 = tpu.memref_slice %arg7[%dma_wait3A_164, %dma_wait3A_168] : memref<2x128xi32, #tpu.memory_space<vmem>> -> memref<1x64xi32, #tpu.memory_space<vmem>>
      %dma_wait3A_170 = tpu.memref_squeeze %dma_wait3A_169 : memref<1x64xi32, #tpu.memory_space<vmem>> -> memref<64xi32, #tpu.memory_space<vmem>>
      %dma_wait3A_171 = arith.constant 0 : i32
      %dma_wait3A_172 = arith.constant 0 : i32
      %dma_wait3A_173 = tpu.memref_slice %arg2[%dma_wait3A_171, %dma_wait3A_172] : memref<10240x128xf32, #tpu.memory_space<hbm>> -> memref<10240x128xf32, #tpu.memory_space<hbm>>
      tpu.wait_indirect_dma semaphore(%arg11 : memref<!tpu.dma_semaphore, #tpu.memory_space<semaphore_mem>>) src(%dma_wait3A_173 : memref<10240x128xf32, #tpu.memory_space<hbm>>) dst(%dma_wait3A_167 : memref<64x128xf32, #tpu.memory_space<vmem>>)
      %run_scoped3A = arith.constant 1 : i32
      "tpu.region"() ({
        %run_scoped3A_175 = tpu.sem_alloc : memref<!tpu.dma_semaphore, #tpu.memory_space<semaphore_mem>>
        %dma_start3A_176 = arith.constant 0 : i32
        %dma_start3A_177 = tpu.memref_slice %arg7[%run_scoped3A, %dma_start3A_176] : memref<2x128xi32, #tpu.memory_space<vmem>> -> memref<1x128xi32, #tpu.memory_space<vmem>>
        %dma_start3A_178 = tpu.memref_squeeze %dma_start3A_177 : memref<1x128xi32, #tpu.memory_space<vmem>> -> memref<128xi32, #tpu.memory_space<vmem>>
        %dma_start3A_179 = arith.constant 0 : i32
        %dma_start3A_180 = arith.constant 0 : i32
        %dma_start3A_181 = tpu.memref_slice %arg9[%dma_start3A_179, %dma_start3A_180] : memref<10240x128xf32, #tpu.memory_space<vmem_shared>> -> memref<10240x128xf32, #tpu.memory_space<vmem_shared>>
        tpu.enqueue_indirect_dma source(%arg8 : memref<128x128xf32, #tpu.memory_space<vmem>>) target(%dma_start3A_181 : memref<10240x128xf32, #tpu.memory_space<vmem_shared>>) offsets(%dma_start3A_178 : memref<128xi32, #tpu.memory_space<vmem>>) semaphore(%run_scoped3A_175 : memref<!tpu.dma_semaphore, #tpu.memory_space<semaphore_mem>>) {add = true}
        %dma_wait3A_182 = arith.constant 0 : i32
        %dma_wait3A_183 = tpu.memref_slice %arg7[%run_scoped3A, %dma_wait3A_182] : memref<2x128xi32, #tpu.memory_space<vmem>> -> memref<1x128xi32, #tpu.memory_space<vmem>>
        %dma_wait3A_184 = tpu.memref_squeeze %dma_wait3A_183 : memref<1x128xi32, #tpu.memory_space<vmem>> -> memref<128xi32, #tpu.memory_space<vmem>>
        %dma_wait3A_185 = arith.constant 0 : i32
        %dma_wait3A_186 = arith.constant 0 : i32
        %dma_wait3A_187 = tpu.memref_slice %arg9[%dma_wait3A_185, %dma_wait3A_186] : memref<10240x128xf32, #tpu.memory_space<vmem_shared>> -> memref<10240x128xf32, #tpu.memory_space<vmem_shared>>
        tpu.wait_indirect_dma semaphore(%run_scoped3A_175 : memref<!tpu.dma_semaphore, #tpu.memory_space<semaphore_mem>>) src(%arg8 : memref<128x128xf32, #tpu.memory_space<vmem>>) dst(%dma_wait3A_187 : memref<10240x128xf32, #tpu.memory_space<vmem_shared>>)
        tpu.yield
      }) : () -> ()
      %run_scoped3A_174 = arith.constant 1 : i32
      "tpu.region"() ({
        %run_scoped3A_175 = tpu.sem_alloc : memref<!tpu.dma_semaphore, #tpu.memory_space<semaphore_mem>>
        %dma_start3A_176 = arith.constant 0 : i32
        %dma_start3A_177 = tpu.memref_slice %arg7[%run_scoped3A_174, %dma_start3A_176] : memref<2x128xi32, #tpu.memory_space<vmem>> -> memref<1x128xi32, #tpu.memory_space<vmem>>
        %dma_start3A_178 = tpu.memref_squeeze %dma_start3A_177 : memref<1x128xi32, #tpu.memory_space<vmem>> -> memref<128xi32, #tpu.memory_space<vmem>>
        %dma_start3A_179 = arith.constant 0 : i32
        %dma_start3A_180 = tpu.memref_slice %arg13[%dma_start3A_179] : memref<10240xf32, #tpu.memory_space<vmem_shared>> -> memref<10240xf32, #tpu.memory_space<vmem_shared>>
        tpu.enqueue_indirect_dma source(%arg12 : memref<128xf32, #tpu.memory_space<vmem>>) target(%dma_start3A_180 : memref<10240xf32, #tpu.memory_space<vmem_shared>>) offsets(%dma_start3A_178 : memref<128xi32, #tpu.memory_space<vmem>>) semaphore(%run_scoped3A_175 : memref<!tpu.dma_semaphore, #tpu.memory_space<semaphore_mem>>) {add = true}
        %dma_wait3A_181 = arith.constant 0 : i32
        %dma_wait3A_182 = tpu.memref_slice %arg7[%run_scoped3A_174, %dma_wait3A_181] : memref<2x128xi32, #tpu.memory_space<vmem>> -> memref<1x128xi32, #tpu.memory_space<vmem>>
        %dma_wait3A_183 = tpu.memref_squeeze %dma_wait3A_182 : memref<1x128xi32, #tpu.memory_space<vmem>> -> memref<128xi32, #tpu.memory_space<vmem>>
        %dma_wait3A_184 = arith.constant 0 : i32
        %dma_wait3A_185 = tpu.memref_slice %arg13[%dma_wait3A_184] : memref<10240xf32, #tpu.memory_space<vmem_shared>> -> memref<10240xf32, #tpu.memory_space<vmem_shared>>
        tpu.wait_indirect_dma semaphore(%run_scoped3A_175 : memref<!tpu.dma_semaphore, #tpu.memory_space<semaphore_mem>>) src(%arg12 : memref<128xf32, #tpu.memory_space<vmem>>) dst(%dma_wait3A_185 : memref<10240xf32, #tpu.memory_space<vmem_shared>>)
        tpu.yield
      }) : () -> ()
    }
    %while3A_126 = arith.constant 1 : i32
    scf.for %while3A_134 = %while3A_124 to %while3A_120 step %while3A_126  : i32 {
      %add3A_135 = arith.addi %select_n3A, %while3A_134 : i32
      "tpu.region"() ({
        %run_scoped3A_175 = tpu.sem_alloc : memref<!tpu.dma_semaphore, #tpu.memory_space<semaphore_mem>>
        %dma_start3A_176 = arith.constant 0 : i32
        %dma_start3A_177 = arith.constant 0 : i32
        %dma_start3A_178 = tpu.memref_slice %arg3[%add3A_135, %dma_start3A_176, %dma_start3A_177] : memref<2528x2x128xi32, #tpu.memory_space<hbm>> -> memref<1x2x128xi32, #tpu.memory_space<hbm>>
        %dma_start3A_179 = tpu.memref_squeeze %dma_start3A_178 : memref<1x2x128xi32, #tpu.memory_space<hbm>> -> memref<2x128xi32, #tpu.memory_space<hbm>>
        %dma_start3A_180 = arith.constant 0 : i32
        %dma_start3A_181 = arith.constant 0 : i32
        %dma_start3A_182 = tpu.memref_slice %arg3[%add3A_135, %dma_start3A_180, %dma_start3A_181] : memref<2528x2x128xi32, #tpu.memory_space<hbm>> -> memref<1x2x128xi32, #tpu.memory_space<hbm>>
        %dma_start3A_183 = tpu.memref_squeeze %dma_start3A_182 : memref<1x2x128xi32, #tpu.memory_space<hbm>> -> memref<2x128xi32, #tpu.memory_space<hbm>>
        tpu.enqueue_dma source(%dma_start3A_183 : memref<2x128xi32, #tpu.memory_space<hbm>>) target(%arg7 : memref<2x128xi32, #tpu.memory_space<vmem>>) target_semaphore(%run_scoped3A_175 : memref<!tpu.dma_semaphore, #tpu.memory_space<semaphore_mem>>)
        %dma_wait3A_184 = arith.constant 0 : i32
        %dma_wait3A_185 = arith.constant 0 : i32
        %dma_wait3A_186 = tpu.memref_slice %arg3[%add3A_135, %dma_wait3A_184, %dma_wait3A_185] : memref<2528x2x128xi32, #tpu.memory_space<hbm>> -> memref<1x2x128xi32, #tpu.memory_space<hbm>>
        %dma_wait3A_187 = tpu.memref_squeeze %dma_wait3A_186 : memref<1x2x128xi32, #tpu.memory_space<hbm>> -> memref<2x128xi32, #tpu.memory_space<hbm>>
        %dma_wait3A_188 = arith.constant 0 : i32
        %dma_wait3A_189 = arith.constant 0 : i32
        %dma_wait3A_190 = tpu.memref_slice %arg3[%add3A_135, %dma_wait3A_188, %dma_wait3A_189] : memref<2528x2x128xi32, #tpu.memory_space<hbm>> -> memref<1x2x128xi32, #tpu.memory_space<hbm>>
        %dma_wait3A_191 = tpu.memref_squeeze %dma_wait3A_190 : memref<1x2x128xi32, #tpu.memory_space<hbm>> -> memref<2x128xi32, #tpu.memory_space<hbm>>
        tpu.wait_dma2 semaphore(%run_scoped3A_175 : memref<!tpu.dma_semaphore, #tpu.memory_space<semaphore_mem>>) src(%dma_wait3A_191 : memref<2x128xi32, #tpu.memory_space<hbm>>) dst(%arg7 : memref<2x128xi32, #tpu.memory_space<vmem>>)
        tpu.yield
      }) : () -> ()
      %dma_start3A = arith.constant 0 : i32
      %dma_start3A_136 = arith.constant 0 : i32
      %dma_start3A_137 = arith.constant 0 : i32
      %dma_start3A_138 = tpu.memref_slice %arg8[%dma_start3A_136, %dma_start3A_137] : memref<128x128xf32, #tpu.memory_space<vmem>> -> memref<64x128xf32, #tpu.memory_space<vmem>>
      %dma_start3A_139 = arith.constant 0 : i32
      %dma_start3A_140 = tpu.memref_slice %arg7[%dma_start3A, %dma_start3A_139] : memref<2x128xi32, #tpu.memory_space<vmem>> -> memref<1x64xi32, #tpu.memory_space<vmem>>
      %dma_start3A_141 = tpu.memref_squeeze %dma_start3A_140 : memref<1x64xi32, #tpu.memory_space<vmem>> -> memref<64xi32, #tpu.memory_space<vmem>>
      %dma_start3A_142 = arith.constant 0 : i32
      %dma_start3A_143 = arith.constant 0 : i32
      %dma_start3A_144 = tpu.memref_slice %arg2[%dma_start3A_142, %dma_start3A_143] : memref<10240x128xf32, #tpu.memory_space<hbm>> -> memref<10240x128xf32, #tpu.memory_space<hbm>>
      tpu.enqueue_indirect_dma source(%dma_start3A_144 : memref<10240x128xf32, #tpu.memory_space<hbm>>) target(%dma_start3A_138 : memref<64x128xf32, #tpu.memory_space<vmem>>) offsets(%dma_start3A_141 : memref<64xi32, #tpu.memory_space<vmem>>) semaphore(%arg10 : memref<!tpu.dma_semaphore, #tpu.memory_space<semaphore_mem>>)
      %dma_start3A_145 = arith.constant 0 : i32
      %dma_start3A_146 = arith.constant 64 : i32
      %dma_start3A_147 = arith.constant 0 : i32
      %dma_start3A_148 = tpu.memref_slice %arg8[%dma_start3A_146, %dma_start3A_147] : memref<128x128xf32, #tpu.memory_space<vmem>> -> memref<64x128xf32, #tpu.memory_space<vmem>>
      %dma_start3A_149 = arith.constant 64 : i32
      %dma_start3A_150 = tpu.memref_slice %arg7[%dma_start3A_145, %dma_start3A_149] : memref<2x128xi32, #tpu.memory_space<vmem>> -> memref<1x64xi32, #tpu.memory_space<vmem>>
      %dma_start3A_151 = tpu.memref_squeeze %dma_start3A_150 : memref<1x64xi32, #tpu.memory_space<vmem>> -> memref<64xi32, #tpu.memory_space<vmem>>
      %dma_start3A_152 = arith.constant 0 : i32
      %dma_start3A_153 = arith.constant 0 : i32
      %dma_start3A_154 = tpu.memref_slice %arg2[%dma_start3A_152, %dma_start3A_153] : memref<10240x128xf32, #tpu.memory_space<hbm>> -> memref<10240x128xf32, #tpu.memory_space<hbm>>
      tpu.enqueue_indirect_dma source(%dma_start3A_154 : memref<10240x128xf32, #tpu.memory_space<hbm>>) target(%dma_start3A_148 : memref<64x128xf32, #tpu.memory_space<vmem>>) offsets(%dma_start3A_151 : memref<64xi32, #tpu.memory_space<vmem>>) semaphore(%arg11 : memref<!tpu.dma_semaphore, #tpu.memory_space<semaphore_mem>>)
      %dma_wait3A = arith.constant 0 : i32
      %dma_wait3A_155 = arith.constant 0 : i32
      %dma_wait3A_156 = arith.constant 0 : i32
      %dma_wait3A_157 = tpu.memref_slice %arg8[%dma_wait3A_155, %dma_wait3A_156] : memref<128x128xf32, #tpu.memory_space<vmem>> -> memref<64x128xf32, #tpu.memory_space<vmem>>
      %dma_wait3A_158 = arith.constant 0 : i32
      %dma_wait3A_159 = tpu.memref_slice %arg7[%dma_wait3A, %dma_wait3A_158] : memref<2x128xi32, #tpu.memory_space<vmem>> -> memref<1x64xi32, #tpu.memory_space<vmem>>
      %dma_wait3A_160 = tpu.memref_squeeze %dma_wait3A_159 : memref<1x64xi32, #tpu.memory_space<vmem>> -> memref<64xi32, #tpu.memory_space<vmem>>
      %dma_wait3A_161 = arith.constant 0 : i32
      %dma_wait3A_162 = arith.constant 0 : i32
      %dma_wait3A_163 = tpu.memref_slice %arg2[%dma_wait3A_161, %dma_wait3A_162] : memref<10240x128xf32, #tpu.memory_space<hbm>> -> memref<10240x128xf32, #tpu.memory_space<hbm>>
      tpu.wait_indirect_dma semaphore(%arg10 : memref<!tpu.dma_semaphore, #tpu.memory_space<semaphore_mem>>) src(%dma_wait3A_163 : memref<10240x128xf32, #tpu.memory_space<hbm>>) dst(%dma_wait3A_157 : memref<64x128xf32, #tpu.memory_space<vmem>>)
      %dma_wait3A_164 = arith.constant 0 : i32
      %dma_wait3A_165 = arith.constant 64 : i32
      %dma_wait3A_166 = arith.constant 0 : i32
      %dma_wait3A_167 = tpu.memref_slice %arg8[%dma_wait3A_165, %dma_wait3A_166] : memref<128x128xf32, #tpu.memory_space<vmem>> -> memref<64x128xf32, #tpu.memory_space<vmem>>
      %dma_wait3A_168 = arith.constant 64 : i32
      %dma_wait3A_169 = tpu.memref_slice %arg7[%dma_wait3A_164, %dma_wait3A_168] : memref<2x128xi32, #tpu.memory_space<vmem>> -> memref<1x64xi32, #tpu.memory_space<vmem>>
      %dma_wait3A_170 = tpu.memref_squeeze %dma_wait3A_169 : memref<1x64xi32, #tpu.memory_space<vmem>> -> memref<64xi32, #tpu.memory_space<vmem>>
      %dma_wait3A_171 = arith.constant 0 : i32
      %dma_wait3A_172 = arith.constant 0 : i32
      %dma_wait3A_173 = tpu.memref_slice %arg2[%dma_wait3A_171, %dma_wait3A_172] : memref<10240x128xf32, #tpu.memory_space<hbm>> -> memref<10240x128xf32, #tpu.memory_space<hbm>>
      tpu.wait_indirect_dma semaphore(%arg11 : memref<!tpu.dma_semaphore, #tpu.memory_space<semaphore_mem>>) src(%dma_wait3A_173 : memref<10240x128xf32, #tpu.memory_space<hbm>>) dst(%dma_wait3A_167 : memref<64x128xf32, #tpu.memory_space<vmem>>)
      %run_scoped3A = arith.constant 1 : i32
      "tpu.region"() ({
        %run_scoped3A_175 = tpu.sem_alloc : memref<!tpu.dma_semaphore, #tpu.memory_space<semaphore_mem>>
        %dma_start3A_176 = arith.constant 0 : i32
        %dma_start3A_177 = tpu.memref_slice %arg7[%run_scoped3A, %dma_start3A_176] : memref<2x128xi32, #tpu.memory_space<vmem>> -> memref<1x128xi32, #tpu.memory_space<vmem>>
        %dma_start3A_178 = tpu.memref_squeeze %dma_start3A_177 : memref<1x128xi32, #tpu.memory_space<vmem>> -> memref<128xi32, #tpu.memory_space<vmem>>
        %dma_start3A_179 = arith.constant 0 : i32
        %dma_start3A_180 = arith.constant 0 : i32
        %dma_start3A_181 = tpu.memref_slice %arg9[%dma_start3A_179, %dma_start3A_180] : memref<10240x128xf32, #tpu.memory_space<vmem_shared>> -> memref<10240x128xf32, #tpu.memory_space<vmem_shared>>
        tpu.enqueue_indirect_dma source(%arg8 : memref<128x128xf32, #tpu.memory_space<vmem>>) target(%dma_start3A_181 : memref<10240x128xf32, #tpu.memory_space<vmem_shared>>) offsets(%dma_start3A_178 : memref<128xi32, #tpu.memory_space<vmem>>) semaphore(%run_scoped3A_175 : memref<!tpu.dma_semaphore, #tpu.memory_space<semaphore_mem>>) {add = true}
        %dma_wait3A_182 = arith.constant 0 : i32
        %dma_wait3A_183 = tpu.memref_slice %arg7[%run_scoped3A, %dma_wait3A_182] : memref<2x128xi32, #tpu.memory_space<vmem>> -> memref<1x128xi32, #tpu.memory_space<vmem>>
        %dma_wait3A_184 = tpu.memref_squeeze %dma_wait3A_183 : memref<1x128xi32, #tpu.memory_space<vmem>> -> memref<128xi32, #tpu.memory_space<vmem>>
        %dma_wait3A_185 = arith.constant 0 : i32
        %dma_wait3A_186 = arith.constant 0 : i32
        %dma_wait3A_187 = tpu.memref_slice %arg9[%dma_wait3A_185, %dma_wait3A_186] : memref<10240x128xf32, #tpu.memory_space<vmem_shared>> -> memref<10240x128xf32, #tpu.memory_space<vmem_shared>>
        tpu.wait_indirect_dma semaphore(%run_scoped3A_175 : memref<!tpu.dma_semaphore, #tpu.memory_space<semaphore_mem>>) src(%arg8 : memref<128x128xf32, #tpu.memory_space<vmem>>) dst(%dma_wait3A_187 : memref<10240x128xf32, #tpu.memory_space<vmem_shared>>)
        tpu.yield
      }) : () -> ()
      %run_scoped3A_174 = arith.constant 1 : i32
      "tpu.region"() ({
        %run_scoped3A_175 = tpu.sem_alloc : memref<!tpu.dma_semaphore, #tpu.memory_space<semaphore_mem>>
        %dma_start3A_176 = arith.constant 0 : i32
        %dma_start3A_177 = tpu.memref_slice %arg7[%run_scoped3A_174, %dma_start3A_176] : memref<2x128xi32, #tpu.memory_space<vmem>> -> memref<1x128xi32, #tpu.memory_space<vmem>>
        %dma_start3A_178 = tpu.memref_squeeze %dma_start3A_177 : memref<1x128xi32, #tpu.memory_space<vmem>> -> memref<128xi32, #tpu.memory_space<vmem>>
        %dma_start3A_179 = arith.constant 0 : i32
        %dma_start3A_180 = tpu.memref_slice %arg13[%dma_start3A_179] : memref<10240xf32, #tpu.memory_space<vmem_shared>> -> memref<10240xf32, #tpu.memory_space<vmem_shared>>
        tpu.enqueue_indirect_dma source(%arg12 : memref<128xf32, #tpu.memory_space<vmem>>) target(%dma_start3A_180 : memref<10240xf32, #tpu.memory_space<vmem_shared>>) offsets(%dma_start3A_178 : memref<128xi32, #tpu.memory_space<vmem>>) semaphore(%run_scoped3A_175 : memref<!tpu.dma_semaphore, #tpu.memory_space<semaphore_mem>>) {add = true}
        %dma_wait3A_181 = arith.constant 0 : i32
        %dma_wait3A_182 = tpu.memref_slice %arg7[%run_scoped3A_174, %dma_wait3A_181] : memref<2x128xi32, #tpu.memory_space<vmem>> -> memref<1x128xi32, #tpu.memory_space<vmem>>
        %dma_wait3A_183 = tpu.memref_squeeze %dma_wait3A_182 : memref<1x128xi32, #tpu.memory_space<vmem>> -> memref<128xi32, #tpu.memory_space<vmem>>
        %dma_wait3A_184 = arith.constant 0 : i32
        %dma_wait3A_185 = tpu.memref_slice %arg13[%dma_wait3A_184] : memref<10240xf32, #tpu.memory_space<vmem_shared>> -> memref<10240xf32, #tpu.memory_space<vmem_shared>>
        tpu.wait_indirect_dma semaphore(%run_scoped3A_175 : memref<!tpu.dma_semaphore, #tpu.memory_space<semaphore_mem>>) src(%arg12 : memref<128xf32, #tpu.memory_space<vmem>>) dst(%dma_wait3A_185 : memref<10240xf32, #tpu.memory_space<vmem_shared>>)
        tpu.yield
      }) : () -> ()
    }
    %barrier3A_127 = arith.constant 0 : index
    tpu.barrier barrier_id(%barrier3A_127)
    %mul3A_128 = arith.constant 10240 : i32
    %mul3A_129 = arith.muli %arg0, %mul3A_128 : i32
    %add3A_130 = arith.addi %mul3A_129, %mul3A_2 : i32
    "tpu.region"() ({
      %run_scoped3A = tpu.sem_alloc : memref<!tpu.dma_semaphore, #tpu.memory_space<semaphore_mem>>
      %dma_start3A = arith.constant 0 : i32
      %dma_start3A_134 = tpu.memref_slice %arg5[%add3A_130, %dma_start3A] : memref<20480x128xf32, #tpu.memory_space<hbm>> -> memref<640x128xf32, #tpu.memory_space<hbm>>
      %dma_start3A_135 = arith.constant 0 : i32
      %dma_start3A_136 = tpu.memref_slice %arg9[%mul3A_2, %dma_start3A_135] : memref<10240x128xf32, #tpu.memory_space<vmem_shared>> -> memref<640x128xf32, #tpu.memory_space<vmem_shared>>
      tpu.enqueue_dma source(%dma_start3A_136 : memref<640x128xf32, #tpu.memory_space<vmem_shared>>) target(%dma_start3A_134 : memref<640x128xf32, #tpu.memory_space<hbm>>) target_semaphore(%run_scoped3A : memref<!tpu.dma_semaphore, #tpu.memory_space<semaphore_mem>>)
      %dma_wait3A = arith.constant 0 : i32
      %dma_wait3A_137 = tpu.memref_slice %arg5[%add3A_130, %dma_wait3A] : memref<20480x128xf32, #tpu.memory_space<hbm>> -> memref<640x128xf32, #tpu.memory_space<hbm>>
      %dma_wait3A_138 = arith.constant 0 : i32
      %dma_wait3A_139 = tpu.memref_slice %arg9[%mul3A_2, %dma_wait3A_138] : memref<10240x128xf32, #tpu.memory_space<vmem_shared>> -> memref<640x128xf32, #tpu.memory_space<vmem_shared>>
      tpu.wait_dma2 semaphore(%run_scoped3A : memref<!tpu.dma_semaphore, #tpu.memory_space<semaphore_mem>>) src(%dma_wait3A_139 : memref<640x128xf32, #tpu.memory_space<vmem_shared>>) dst(%dma_wait3A_137 : memref<640x128xf32, #tpu.memory_space<hbm>>)
      tpu.yield
    }) : () -> ()
    %mul3A_131 = arith.constant 10240 : i32
    %mul3A_132 = arith.muli %arg0, %mul3A_131 : i32
    %add3A_133 = arith.addi %mul3A_132, %mul3A_2 : i32
    "tpu.region"() ({
      %run_scoped3A = tpu.sem_alloc : memref<!tpu.dma_semaphore, #tpu.memory_space<semaphore_mem>>
      %dma_start3A = tpu.memref_slice %arg6[%add3A_133] : memref<20480xf32, #tpu.memory_space<hbm>> -> memref<640xf32, #tpu.memory_space<hbm>>
      %dma_start3A_134 = tpu.memref_slice %arg13[%mul3A_2] : memref<10240xf32, #tpu.memory_space<vmem_shared>> -> memref<640xf32, #tpu.memory_space<vmem_shared>>
      tpu.enqueue_dma source(%dma_start3A_134 : memref<640xf32, #tpu.memory_space<vmem_shared>>) target(%dma_start3A : memref<640xf32, #tpu.memory_space<hbm>>) target_semaphore(%run_scoped3A : memref<!tpu.dma_semaphore, #tpu.memory_space<semaphore_mem>>)
      %dma_wait3A = tpu.memref_slice %arg6[%add3A_133] : memref<20480xf32, #tpu.memory_space<hbm>> -> memref<640xf32, #tpu.memory_space<hbm>>
      %dma_wait3A_135 = tpu.memref_slice %arg13[%mul3A_2] : memref<10240xf32, #tpu.memory_space<vmem_shared>> -> memref<640xf32, #tpu.memory_space<vmem_shared>>
      tpu.wait_dma2 semaphore(%run_scoped3A : memref<!tpu.dma_semaphore, #tpu.memory_space<semaphore_mem>>) src(%dma_wait3A_135 : memref<640xf32, #tpu.memory_space<vmem_shared>>) dst(%dma_wait3A : memref<640xf32, #tpu.memory_space<hbm>>)
      tpu.yield
    }) : () -> ()
    return
  }
}

#map = affine_map<(d0, d1) -> (0, 0)>
#map1 = affine_map<(d0, d1) -> (0, 0, 0)>
module attributes {stable_mosaic.version = 14 : i64} {
  func.func @body(%arg0: i32, %arg1: i32, %arg2: memref<10240x128xf32, #tpu.memory_space<hbm>>, %arg3: memref<2528x2x128xi32, #tpu.memory_space<hbm>>, %arg4: memref<10240x128xf32, #tpu.memory_space<hbm>>, %arg5: memref<20480x128xf32, #tpu.memory_space<hbm>>, %arg6: memref<2x128xi32, #tpu.memory_space<vmem>>, %arg7: memref<128x128xf32, #tpu.memory_space<vmem>>, %arg8: memref<10240x128xf32, #tpu.memory_space<vmem_shared>>, %arg9: memref<!tpu.dma_semaphore, #tpu.memory_space<semaphore_mem>>, %arg10: memref<!tpu.dma_semaphore, #tpu.memory_space<semaphore_mem>>) attributes {dimension_semantics = [#tpu.dimension_semantics<core_parallel>, #tpu.dimension_semantics<subcore_parallel>], iteration_bounds = array<i64: 2, 16>, scalar_prefetch = 0 : i64, scratch_operands = 5 : i64, tpu.core_type = #tpu.core_type<sc_vector_subcore>, window_params = [{transform_indices = #map}, {transform_indices = #map1}, {transform_indices = #map}, {transform_indices = #map}]} {
    %mul3A = arith.constant 16 : i32
    %mul3A_0 = arith.muli %arg0, %mul3A : i32
    %add3A = arith.addi %mul3A_0, %arg1 : i32
    %mul3A_1 = arith.constant 640 : i32
    %mul3A_2 = arith.muli %arg1, %mul3A_1 : i32
    "tpu.region"() ({
      %run_scoped3A = tpu.sem_alloc : memref<!tpu.dma_semaphore, #tpu.memory_space<semaphore_mem>>
      %dma_start3A = arith.constant 0 : i32
      %dma_start3A_27 = tpu.memref_slice %arg8[%mul3A_2, %dma_start3A] : memref<10240x128xf32, #tpu.memory_space<vmem_shared>> -> memref<640x128xf32, #tpu.memory_space<vmem_shared>>
      %dma_start3A_28 = arith.constant 0 : i32
      %dma_start3A_29 = tpu.memref_slice %arg4[%mul3A_2, %dma_start3A_28] : memref<10240x128xf32, #tpu.memory_space<hbm>> -> memref<640x128xf32, #tpu.memory_space<hbm>>
      tpu.enqueue_dma source(%dma_start3A_29 : memref<640x128xf32, #tpu.memory_space<hbm>>) target(%dma_start3A_27 : memref<640x128xf32, #tpu.memory_space<vmem_shared>>) target_semaphore(%run_scoped3A : memref<!tpu.dma_semaphore, #tpu.memory_space<semaphore_mem>>)
      %dma_wait3A = arith.constant 0 : i32
      %dma_wait3A_30 = tpu.memref_slice %arg8[%mul3A_2, %dma_wait3A] : memref<10240x128xf32, #tpu.memory_space<vmem_shared>> -> memref<640x128xf32, #tpu.memory_space<vmem_shared>>
      %dma_wait3A_31 = arith.constant 0 : i32
      %dma_wait3A_32 = tpu.memref_slice %arg4[%mul3A_2, %dma_wait3A_31] : memref<10240x128xf32, #tpu.memory_space<hbm>> -> memref<640x128xf32, #tpu.memory_space<hbm>>
      tpu.wait_dma2 semaphore(%run_scoped3A : memref<!tpu.dma_semaphore, #tpu.memory_space<semaphore_mem>>) src(%dma_wait3A_32 : memref<640x128xf32, #tpu.memory_space<hbm>>) dst(%dma_wait3A_30 : memref<640x128xf32, #tpu.memory_space<vmem_shared>>)
      tpu.yield
    }) : () -> ()
    %barrier3A = arith.constant 0 : index
    tpu.barrier barrier_id(%barrier3A)
    %eq3A = arith.constant 0 : i32
    %eq3A_3 = arith.cmpi eq, %arg0, %eq3A : i32
    %mul3A_4 = arith.constant 79 : i32
    %mul3A_5 = arith.muli %arg1, %mul3A_4 : i32
    %mul3A_6 = arith.constant 79 : i32
    %mul3A_7 = arith.muli %arg1, %mul3A_6 : i32
    %add3A_8 = arith.constant 1264 : i32
    %add3A_9 = arith.addi %add3A_8, %mul3A_7 : i32
    %select_n3A = arith.select %eq3A_3, %mul3A_5, %add3A_9 : i32
    %eq3A_10 = arith.constant 0 : i32
    %eq3A_11 = arith.cmpi eq, %arg0, %eq3A_10 : i32
    %jit3A = arith.constant 79 : i32
    %jit3A_12 = arith.constant 79 : i32
    %select_n3A_13 = arith.select %eq3A_11, %jit3A, %jit3A_12 : i32
    %while3A = arith.constant 0 : i32
    %while3A_14 = arith.constant 0 : i32
    %while3A_15 = arith.subi %select_n3A_13, %while3A_14 : i32
    %while3A_16 = arith.addi %while3A_14, %while3A_15 : i32
    %while3A_17 = arith.constant 1 : i32
    %while3A_18 = arith.divsi %while3A_15, %while3A_17 : i32
    %while3A_19 = arith.muli %while3A_18, %while3A_17 : i32
    %while3A_20 = arith.addi %while3A_14, %while3A_19 : i32
    %while3A_21 = arith.constant 1 : i32
    scf.for %while3A_27 = %while3A_14 to %while3A_20 step %while3A_21  : i32 {
      %add3A_28 = arith.addi %select_n3A, %while3A_27 : i32
      "tpu.region"() ({
        %run_scoped3A_67 = tpu.sem_alloc : memref<!tpu.dma_semaphore, #tpu.memory_space<semaphore_mem>>
        %dma_start3A_68 = arith.constant 0 : i32
        %dma_start3A_69 = arith.constant 0 : i32
        %dma_start3A_70 = tpu.memref_slice %arg3[%add3A_28, %dma_start3A_68, %dma_start3A_69] : memref<2528x2x128xi32, #tpu.memory_space<hbm>> -> memref<1x2x128xi32, #tpu.memory_space<hbm>>
        %dma_start3A_71 = tpu.memref_squeeze %dma_start3A_70 : memref<1x2x128xi32, #tpu.memory_space<hbm>> -> memref<2x128xi32, #tpu.memory_space<hbm>>
        %dma_start3A_72 = arith.constant 0 : i32
        %dma_start3A_73 = arith.constant 0 : i32
        %dma_start3A_74 = tpu.memref_slice %arg3[%add3A_28, %dma_start3A_72, %dma_start3A_73] : memref<2528x2x128xi32, #tpu.memory_space<hbm>> -> memref<1x2x128xi32, #tpu.memory_space<hbm>>
        %dma_start3A_75 = tpu.memref_squeeze %dma_start3A_74 : memref<1x2x128xi32, #tpu.memory_space<hbm>> -> memref<2x128xi32, #tpu.memory_space<hbm>>
        tpu.enqueue_dma source(%dma_start3A_75 : memref<2x128xi32, #tpu.memory_space<hbm>>) target(%arg6 : memref<2x128xi32, #tpu.memory_space<vmem>>) target_semaphore(%run_scoped3A_67 : memref<!tpu.dma_semaphore, #tpu.memory_space<semaphore_mem>>)
        %dma_wait3A_76 = arith.constant 0 : i32
        %dma_wait3A_77 = arith.constant 0 : i32
        %dma_wait3A_78 = tpu.memref_slice %arg3[%add3A_28, %dma_wait3A_76, %dma_wait3A_77] : memref<2528x2x128xi32, #tpu.memory_space<hbm>> -> memref<1x2x128xi32, #tpu.memory_space<hbm>>
        %dma_wait3A_79 = tpu.memref_squeeze %dma_wait3A_78 : memref<1x2x128xi32, #tpu.memory_space<hbm>> -> memref<2x128xi32, #tpu.memory_space<hbm>>
        %dma_wait3A_80 = arith.constant 0 : i32
        %dma_wait3A_81 = arith.constant 0 : i32
        %dma_wait3A_82 = tpu.memref_slice %arg3[%add3A_28, %dma_wait3A_80, %dma_wait3A_81] : memref<2528x2x128xi32, #tpu.memory_space<hbm>> -> memref<1x2x128xi32, #tpu.memory_space<hbm>>
        %dma_wait3A_83 = tpu.memref_squeeze %dma_wait3A_82 : memref<1x2x128xi32, #tpu.memory_space<hbm>> -> memref<2x128xi32, #tpu.memory_space<hbm>>
        tpu.wait_dma2 semaphore(%run_scoped3A_67 : memref<!tpu.dma_semaphore, #tpu.memory_space<semaphore_mem>>) src(%dma_wait3A_83 : memref<2x128xi32, #tpu.memory_space<hbm>>) dst(%arg6 : memref<2x128xi32, #tpu.memory_space<vmem>>)
        tpu.yield
      }) : () -> ()
      %dma_start3A = arith.constant 0 : i32
      %dma_start3A_29 = arith.constant 0 : i32
      %dma_start3A_30 = arith.constant 0 : i32
      %dma_start3A_31 = tpu.memref_slice %arg7[%dma_start3A_29, %dma_start3A_30] : memref<128x128xf32, #tpu.memory_space<vmem>> -> memref<64x128xf32, #tpu.memory_space<vmem>>
      %dma_start3A_32 = arith.constant 0 : i32
      %dma_start3A_33 = tpu.memref_slice %arg6[%dma_start3A, %dma_start3A_32] : memref<2x128xi32, #tpu.memory_space<vmem>> -> memref<1x64xi32, #tpu.memory_space<vmem>>
      %dma_start3A_34 = tpu.memref_squeeze %dma_start3A_33 : memref<1x64xi32, #tpu.memory_space<vmem>> -> memref<64xi32, #tpu.memory_space<vmem>>
      %dma_start3A_35 = arith.constant 0 : i32
      %dma_start3A_36 = arith.constant 0 : i32
      %dma_start3A_37 = tpu.memref_slice %arg2[%dma_start3A_35, %dma_start3A_36] : memref<10240x128xf32, #tpu.memory_space<hbm>> -> memref<10240x128xf32, #tpu.memory_space<hbm>>
      tpu.enqueue_indirect_dma source(%dma_start3A_37 : memref<10240x128xf32, #tpu.memory_space<hbm>>) target(%dma_start3A_31 : memref<64x128xf32, #tpu.memory_space<vmem>>) offsets(%dma_start3A_34 : memref<64xi32, #tpu.memory_space<vmem>>) semaphore(%arg9 : memref<!tpu.dma_semaphore, #tpu.memory_space<semaphore_mem>>)
      %dma_start3A_38 = arith.constant 0 : i32
      %dma_start3A_39 = arith.constant 64 : i32
      %dma_start3A_40 = arith.constant 0 : i32
      %dma_start3A_41 = tpu.memref_slice %arg7[%dma_start3A_39, %dma_start3A_40] : memref<128x128xf32, #tpu.memory_space<vmem>> -> memref<64x128xf32, #tpu.memory_space<vmem>>
      %dma_start3A_42 = arith.constant 64 : i32
      %dma_start3A_43 = tpu.memref_slice %arg6[%dma_start3A_38, %dma_start3A_42] : memref<2x128xi32, #tpu.memory_space<vmem>> -> memref<1x64xi32, #tpu.memory_space<vmem>>
      %dma_start3A_44 = tpu.memref_squeeze %dma_start3A_43 : memref<1x64xi32, #tpu.memory_space<vmem>> -> memref<64xi32, #tpu.memory_space<vmem>>
      %dma_start3A_45 = arith.constant 0 : i32
      %dma_start3A_46 = arith.constant 0 : i32
      %dma_start3A_47 = tpu.memref_slice %arg2[%dma_start3A_45, %dma_start3A_46] : memref<10240x128xf32, #tpu.memory_space<hbm>> -> memref<10240x128xf32, #tpu.memory_space<hbm>>
      tpu.enqueue_indirect_dma source(%dma_start3A_47 : memref<10240x128xf32, #tpu.memory_space<hbm>>) target(%dma_start3A_41 : memref<64x128xf32, #tpu.memory_space<vmem>>) offsets(%dma_start3A_44 : memref<64xi32, #tpu.memory_space<vmem>>) semaphore(%arg10 : memref<!tpu.dma_semaphore, #tpu.memory_space<semaphore_mem>>)
      %dma_wait3A = arith.constant 0 : i32
      %dma_wait3A_48 = arith.constant 0 : i32
      %dma_wait3A_49 = arith.constant 0 : i32
      %dma_wait3A_50 = tpu.memref_slice %arg7[%dma_wait3A_48, %dma_wait3A_49] : memref<128x128xf32, #tpu.memory_space<vmem>> -> memref<64x128xf32, #tpu.memory_space<vmem>>
      %dma_wait3A_51 = arith.constant 0 : i32
      %dma_wait3A_52 = tpu.memref_slice %arg6[%dma_wait3A, %dma_wait3A_51] : memref<2x128xi32, #tpu.memory_space<vmem>> -> memref<1x64xi32, #tpu.memory_space<vmem>>
      %dma_wait3A_53 = tpu.memref_squeeze %dma_wait3A_52 : memref<1x64xi32, #tpu.memory_space<vmem>> -> memref<64xi32, #tpu.memory_space<vmem>>
      %dma_wait3A_54 = arith.constant 0 : i32
      %dma_wait3A_55 = arith.constant 0 : i32
      %dma_wait3A_56 = tpu.memref_slice %arg2[%dma_wait3A_54, %dma_wait3A_55] : memref<10240x128xf32, #tpu.memory_space<hbm>> -> memref<10240x128xf32, #tpu.memory_space<hbm>>
      tpu.wait_indirect_dma semaphore(%arg9 : memref<!tpu.dma_semaphore, #tpu.memory_space<semaphore_mem>>) src(%dma_wait3A_56 : memref<10240x128xf32, #tpu.memory_space<hbm>>) dst(%dma_wait3A_50 : memref<64x128xf32, #tpu.memory_space<vmem>>)
      %dma_wait3A_57 = arith.constant 0 : i32
      %dma_wait3A_58 = arith.constant 64 : i32
      %dma_wait3A_59 = arith.constant 0 : i32
      %dma_wait3A_60 = tpu.memref_slice %arg7[%dma_wait3A_58, %dma_wait3A_59] : memref<128x128xf32, #tpu.memory_space<vmem>> -> memref<64x128xf32, #tpu.memory_space<vmem>>
      %dma_wait3A_61 = arith.constant 64 : i32
      %dma_wait3A_62 = tpu.memref_slice %arg6[%dma_wait3A_57, %dma_wait3A_61] : memref<2x128xi32, #tpu.memory_space<vmem>> -> memref<1x64xi32, #tpu.memory_space<vmem>>
      %dma_wait3A_63 = tpu.memref_squeeze %dma_wait3A_62 : memref<1x64xi32, #tpu.memory_space<vmem>> -> memref<64xi32, #tpu.memory_space<vmem>>
      %dma_wait3A_64 = arith.constant 0 : i32
      %dma_wait3A_65 = arith.constant 0 : i32
      %dma_wait3A_66 = tpu.memref_slice %arg2[%dma_wait3A_64, %dma_wait3A_65] : memref<10240x128xf32, #tpu.memory_space<hbm>> -> memref<10240x128xf32, #tpu.memory_space<hbm>>
      tpu.wait_indirect_dma semaphore(%arg10 : memref<!tpu.dma_semaphore, #tpu.memory_space<semaphore_mem>>) src(%dma_wait3A_66 : memref<10240x128xf32, #tpu.memory_space<hbm>>) dst(%dma_wait3A_60 : memref<64x128xf32, #tpu.memory_space<vmem>>)
      %run_scoped3A = arith.constant 1 : i32
      "tpu.region"() ({
        %run_scoped3A_67 = tpu.sem_alloc : memref<!tpu.dma_semaphore, #tpu.memory_space<semaphore_mem>>
        %dma_start3A_68 = arith.constant 0 : i32
        %dma_start3A_69 = tpu.memref_slice %arg6[%run_scoped3A, %dma_start3A_68] : memref<2x128xi32, #tpu.memory_space<vmem>> -> memref<1x128xi32, #tpu.memory_space<vmem>>
        %dma_start3A_70 = tpu.memref_squeeze %dma_start3A_69 : memref<1x128xi32, #tpu.memory_space<vmem>> -> memref<128xi32, #tpu.memory_space<vmem>>
        %dma_start3A_71 = arith.constant 0 : i32
        %dma_start3A_72 = arith.constant 0 : i32
        %dma_start3A_73 = tpu.memref_slice %arg8[%dma_start3A_71, %dma_start3A_72] : memref<10240x128xf32, #tpu.memory_space<vmem_shared>> -> memref<10240x128xf32, #tpu.memory_space<vmem_shared>>
        tpu.enqueue_indirect_dma source(%arg7 : memref<128x128xf32, #tpu.memory_space<vmem>>) target(%dma_start3A_73 : memref<10240x128xf32, #tpu.memory_space<vmem_shared>>) offsets(%dma_start3A_70 : memref<128xi32, #tpu.memory_space<vmem>>) semaphore(%run_scoped3A_67 : memref<!tpu.dma_semaphore, #tpu.memory_space<semaphore_mem>>) {add = true}
        %dma_wait3A_74 = arith.constant 0 : i32
        %dma_wait3A_75 = tpu.memref_slice %arg6[%run_scoped3A, %dma_wait3A_74] : memref<2x128xi32, #tpu.memory_space<vmem>> -> memref<1x128xi32, #tpu.memory_space<vmem>>
        %dma_wait3A_76 = tpu.memref_squeeze %dma_wait3A_75 : memref<1x128xi32, #tpu.memory_space<vmem>> -> memref<128xi32, #tpu.memory_space<vmem>>
        %dma_wait3A_77 = arith.constant 0 : i32
        %dma_wait3A_78 = arith.constant 0 : i32
        %dma_wait3A_79 = tpu.memref_slice %arg8[%dma_wait3A_77, %dma_wait3A_78] : memref<10240x128xf32, #tpu.memory_space<vmem_shared>> -> memref<10240x128xf32, #tpu.memory_space<vmem_shared>>
        tpu.wait_indirect_dma semaphore(%run_scoped3A_67 : memref<!tpu.dma_semaphore, #tpu.memory_space<semaphore_mem>>) src(%arg7 : memref<128x128xf32, #tpu.memory_space<vmem>>) dst(%dma_wait3A_79 : memref<10240x128xf32, #tpu.memory_space<vmem_shared>>)
        tpu.yield
      }) : () -> ()
    }
    %while3A_22 = arith.constant 1 : i32
    scf.for %while3A_27 = %while3A_20 to %while3A_16 step %while3A_22  : i32 {
      %add3A_28 = arith.addi %select_n3A, %while3A_27 : i32
      "tpu.region"() ({
        %run_scoped3A_67 = tpu.sem_alloc : memref<!tpu.dma_semaphore, #tpu.memory_space<semaphore_mem>>
        %dma_start3A_68 = arith.constant 0 : i32
        %dma_start3A_69 = arith.constant 0 : i32
        %dma_start3A_70 = tpu.memref_slice %arg3[%add3A_28, %dma_start3A_68, %dma_start3A_69] : memref<2528x2x128xi32, #tpu.memory_space<hbm>> -> memref<1x2x128xi32, #tpu.memory_space<hbm>>
        %dma_start3A_71 = tpu.memref_squeeze %dma_start3A_70 : memref<1x2x128xi32, #tpu.memory_space<hbm>> -> memref<2x128xi32, #tpu.memory_space<hbm>>
        %dma_start3A_72 = arith.constant 0 : i32
        %dma_start3A_73 = arith.constant 0 : i32
        %dma_start3A_74 = tpu.memref_slice %arg3[%add3A_28, %dma_start3A_72, %dma_start3A_73] : memref<2528x2x128xi32, #tpu.memory_space<hbm>> -> memref<1x2x128xi32, #tpu.memory_space<hbm>>
        %dma_start3A_75 = tpu.memref_squeeze %dma_start3A_74 : memref<1x2x128xi32, #tpu.memory_space<hbm>> -> memref<2x128xi32, #tpu.memory_space<hbm>>
        tpu.enqueue_dma source(%dma_start3A_75 : memref<2x128xi32, #tpu.memory_space<hbm>>) target(%arg6 : memref<2x128xi32, #tpu.memory_space<vmem>>) target_semaphore(%run_scoped3A_67 : memref<!tpu.dma_semaphore, #tpu.memory_space<semaphore_mem>>)
        %dma_wait3A_76 = arith.constant 0 : i32
        %dma_wait3A_77 = arith.constant 0 : i32
        %dma_wait3A_78 = tpu.memref_slice %arg3[%add3A_28, %dma_wait3A_76, %dma_wait3A_77] : memref<2528x2x128xi32, #tpu.memory_space<hbm>> -> memref<1x2x128xi32, #tpu.memory_space<hbm>>
        %dma_wait3A_79 = tpu.memref_squeeze %dma_wait3A_78 : memref<1x2x128xi32, #tpu.memory_space<hbm>> -> memref<2x128xi32, #tpu.memory_space<hbm>>
        %dma_wait3A_80 = arith.constant 0 : i32
        %dma_wait3A_81 = arith.constant 0 : i32
        %dma_wait3A_82 = tpu.memref_slice %arg3[%add3A_28, %dma_wait3A_80, %dma_wait3A_81] : memref<2528x2x128xi32, #tpu.memory_space<hbm>> -> memref<1x2x128xi32, #tpu.memory_space<hbm>>
        %dma_wait3A_83 = tpu.memref_squeeze %dma_wait3A_82 : memref<1x2x128xi32, #tpu.memory_space<hbm>> -> memref<2x128xi32, #tpu.memory_space<hbm>>
        tpu.wait_dma2 semaphore(%run_scoped3A_67 : memref<!tpu.dma_semaphore, #tpu.memory_space<semaphore_mem>>) src(%dma_wait3A_83 : memref<2x128xi32, #tpu.memory_space<hbm>>) dst(%arg6 : memref<2x128xi32, #tpu.memory_space<vmem>>)
        tpu.yield
      }) : () -> ()
      %dma_start3A = arith.constant 0 : i32
      %dma_start3A_29 = arith.constant 0 : i32
      %dma_start3A_30 = arith.constant 0 : i32
      %dma_start3A_31 = tpu.memref_slice %arg7[%dma_start3A_29, %dma_start3A_30] : memref<128x128xf32, #tpu.memory_space<vmem>> -> memref<64x128xf32, #tpu.memory_space<vmem>>
      %dma_start3A_32 = arith.constant 0 : i32
      %dma_start3A_33 = tpu.memref_slice %arg6[%dma_start3A, %dma_start3A_32] : memref<2x128xi32, #tpu.memory_space<vmem>> -> memref<1x64xi32, #tpu.memory_space<vmem>>
      %dma_start3A_34 = tpu.memref_squeeze %dma_start3A_33 : memref<1x64xi32, #tpu.memory_space<vmem>> -> memref<64xi32, #tpu.memory_space<vmem>>
      %dma_start3A_35 = arith.constant 0 : i32
      %dma_start3A_36 = arith.constant 0 : i32
      %dma_start3A_37 = tpu.memref_slice %arg2[%dma_start3A_35, %dma_start3A_36] : memref<10240x128xf32, #tpu.memory_space<hbm>> -> memref<10240x128xf32, #tpu.memory_space<hbm>>
      tpu.enqueue_indirect_dma source(%dma_start3A_37 : memref<10240x128xf32, #tpu.memory_space<hbm>>) target(%dma_start3A_31 : memref<64x128xf32, #tpu.memory_space<vmem>>) offsets(%dma_start3A_34 : memref<64xi32, #tpu.memory_space<vmem>>) semaphore(%arg9 : memref<!tpu.dma_semaphore, #tpu.memory_space<semaphore_mem>>)
      %dma_start3A_38 = arith.constant 0 : i32
      %dma_start3A_39 = arith.constant 64 : i32
      %dma_start3A_40 = arith.constant 0 : i32
      %dma_start3A_41 = tpu.memref_slice %arg7[%dma_start3A_39, %dma_start3A_40] : memref<128x128xf32, #tpu.memory_space<vmem>> -> memref<64x128xf32, #tpu.memory_space<vmem>>
      %dma_start3A_42 = arith.constant 64 : i32
      %dma_start3A_43 = tpu.memref_slice %arg6[%dma_start3A_38, %dma_start3A_42] : memref<2x128xi32, #tpu.memory_space<vmem>> -> memref<1x64xi32, #tpu.memory_space<vmem>>
      %dma_start3A_44 = tpu.memref_squeeze %dma_start3A_43 : memref<1x64xi32, #tpu.memory_space<vmem>> -> memref<64xi32, #tpu.memory_space<vmem>>
      %dma_start3A_45 = arith.constant 0 : i32
      %dma_start3A_46 = arith.constant 0 : i32
      %dma_start3A_47 = tpu.memref_slice %arg2[%dma_start3A_45, %dma_start3A_46] : memref<10240x128xf32, #tpu.memory_space<hbm>> -> memref<10240x128xf32, #tpu.memory_space<hbm>>
      tpu.enqueue_indirect_dma source(%dma_start3A_47 : memref<10240x128xf32, #tpu.memory_space<hbm>>) target(%dma_start3A_41 : memref<64x128xf32, #tpu.memory_space<vmem>>) offsets(%dma_start3A_44 : memref<64xi32, #tpu.memory_space<vmem>>) semaphore(%arg10 : memref<!tpu.dma_semaphore, #tpu.memory_space<semaphore_mem>>)
      %dma_wait3A = arith.constant 0 : i32
      %dma_wait3A_48 = arith.constant 0 : i32
      %dma_wait3A_49 = arith.constant 0 : i32
      %dma_wait3A_50 = tpu.memref_slice %arg7[%dma_wait3A_48, %dma_wait3A_49] : memref<128x128xf32, #tpu.memory_space<vmem>> -> memref<64x128xf32, #tpu.memory_space<vmem>>
      %dma_wait3A_51 = arith.constant 0 : i32
      %dma_wait3A_52 = tpu.memref_slice %arg6[%dma_wait3A, %dma_wait3A_51] : memref<2x128xi32, #tpu.memory_space<vmem>> -> memref<1x64xi32, #tpu.memory_space<vmem>>
      %dma_wait3A_53 = tpu.memref_squeeze %dma_wait3A_52 : memref<1x64xi32, #tpu.memory_space<vmem>> -> memref<64xi32, #tpu.memory_space<vmem>>
      %dma_wait3A_54 = arith.constant 0 : i32
      %dma_wait3A_55 = arith.constant 0 : i32
      %dma_wait3A_56 = tpu.memref_slice %arg2[%dma_wait3A_54, %dma_wait3A_55] : memref<10240x128xf32, #tpu.memory_space<hbm>> -> memref<10240x128xf32, #tpu.memory_space<hbm>>
      tpu.wait_indirect_dma semaphore(%arg9 : memref<!tpu.dma_semaphore, #tpu.memory_space<semaphore_mem>>) src(%dma_wait3A_56 : memref<10240x128xf32, #tpu.memory_space<hbm>>) dst(%dma_wait3A_50 : memref<64x128xf32, #tpu.memory_space<vmem>>)
      %dma_wait3A_57 = arith.constant 0 : i32
      %dma_wait3A_58 = arith.constant 64 : i32
      %dma_wait3A_59 = arith.constant 0 : i32
      %dma_wait3A_60 = tpu.memref_slice %arg7[%dma_wait3A_58, %dma_wait3A_59] : memref<128x128xf32, #tpu.memory_space<vmem>> -> memref<64x128xf32, #tpu.memory_space<vmem>>
      %dma_wait3A_61 = arith.constant 64 : i32
      %dma_wait3A_62 = tpu.memref_slice %arg6[%dma_wait3A_57, %dma_wait3A_61] : memref<2x128xi32, #tpu.memory_space<vmem>> -> memref<1x64xi32, #tpu.memory_space<vmem>>
      %dma_wait3A_63 = tpu.memref_squeeze %dma_wait3A_62 : memref<1x64xi32, #tpu.memory_space<vmem>> -> memref<64xi32, #tpu.memory_space<vmem>>
      %dma_wait3A_64 = arith.constant 0 : i32
      %dma_wait3A_65 = arith.constant 0 : i32
      %dma_wait3A_66 = tpu.memref_slice %arg2[%dma_wait3A_64, %dma_wait3A_65] : memref<10240x128xf32, #tpu.memory_space<hbm>> -> memref<10240x128xf32, #tpu.memory_space<hbm>>
      tpu.wait_indirect_dma semaphore(%arg10 : memref<!tpu.dma_semaphore, #tpu.memory_space<semaphore_mem>>) src(%dma_wait3A_66 : memref<10240x128xf32, #tpu.memory_space<hbm>>) dst(%dma_wait3A_60 : memref<64x128xf32, #tpu.memory_space<vmem>>)
      %run_scoped3A = arith.constant 1 : i32
      "tpu.region"() ({
        %run_scoped3A_67 = tpu.sem_alloc : memref<!tpu.dma_semaphore, #tpu.memory_space<semaphore_mem>>
        %dma_start3A_68 = arith.constant 0 : i32
        %dma_start3A_69 = tpu.memref_slice %arg6[%run_scoped3A, %dma_start3A_68] : memref<2x128xi32, #tpu.memory_space<vmem>> -> memref<1x128xi32, #tpu.memory_space<vmem>>
        %dma_start3A_70 = tpu.memref_squeeze %dma_start3A_69 : memref<1x128xi32, #tpu.memory_space<vmem>> -> memref<128xi32, #tpu.memory_space<vmem>>
        %dma_start3A_71 = arith.constant 0 : i32
        %dma_start3A_72 = arith.constant 0 : i32
        %dma_start3A_73 = tpu.memref_slice %arg8[%dma_start3A_71, %dma_start3A_72] : memref<10240x128xf32, #tpu.memory_space<vmem_shared>> -> memref<10240x128xf32, #tpu.memory_space<vmem_shared>>
        tpu.enqueue_indirect_dma source(%arg7 : memref<128x128xf32, #tpu.memory_space<vmem>>) target(%dma_start3A_73 : memref<10240x128xf32, #tpu.memory_space<vmem_shared>>) offsets(%dma_start3A_70 : memref<128xi32, #tpu.memory_space<vmem>>) semaphore(%run_scoped3A_67 : memref<!tpu.dma_semaphore, #tpu.memory_space<semaphore_mem>>) {add = true}
        %dma_wait3A_74 = arith.constant 0 : i32
        %dma_wait3A_75 = tpu.memref_slice %arg6[%run_scoped3A, %dma_wait3A_74] : memref<2x128xi32, #tpu.memory_space<vmem>> -> memref<1x128xi32, #tpu.memory_space<vmem>>
        %dma_wait3A_76 = tpu.memref_squeeze %dma_wait3A_75 : memref<1x128xi32, #tpu.memory_space<vmem>> -> memref<128xi32, #tpu.memory_space<vmem>>
        %dma_wait3A_77 = arith.constant 0 : i32
        %dma_wait3A_78 = arith.constant 0 : i32
        %dma_wait3A_79 = tpu.memref_slice %arg8[%dma_wait3A_77, %dma_wait3A_78] : memref<10240x128xf32, #tpu.memory_space<vmem_shared>> -> memref<10240x128xf32, #tpu.memory_space<vmem_shared>>
        tpu.wait_indirect_dma semaphore(%run_scoped3A_67 : memref<!tpu.dma_semaphore, #tpu.memory_space<semaphore_mem>>) src(%arg7 : memref<128x128xf32, #tpu.memory_space<vmem>>) dst(%dma_wait3A_79 : memref<10240x128xf32, #tpu.memory_space<vmem_shared>>)
        tpu.yield
      }) : () -> ()
    }
    %barrier3A_23 = arith.constant 0 : index
    tpu.barrier barrier_id(%barrier3A_23)
    %mul3A_24 = arith.constant 10240 : i32
    %mul3A_25 = arith.muli %arg0, %mul3A_24 : i32
    %add3A_26 = arith.addi %mul3A_25, %mul3A_2 : i32
    "tpu.region"() ({
      %run_scoped3A = tpu.sem_alloc : memref<!tpu.dma_semaphore, #tpu.memory_space<semaphore_mem>>
      %dma_start3A = arith.constant 0 : i32
      %dma_start3A_27 = tpu.memref_slice %arg5[%add3A_26, %dma_start3A] : memref<20480x128xf32, #tpu.memory_space<hbm>> -> memref<640x128xf32, #tpu.memory_space<hbm>>
      %dma_start3A_28 = arith.constant 0 : i32
      %dma_start3A_29 = tpu.memref_slice %arg8[%mul3A_2, %dma_start3A_28] : memref<10240x128xf32, #tpu.memory_space<vmem_shared>> -> memref<640x128xf32, #tpu.memory_space<vmem_shared>>
      tpu.enqueue_dma source(%dma_start3A_29 : memref<640x128xf32, #tpu.memory_space<vmem_shared>>) target(%dma_start3A_27 : memref<640x128xf32, #tpu.memory_space<hbm>>) target_semaphore(%run_scoped3A : memref<!tpu.dma_semaphore, #tpu.memory_space<semaphore_mem>>)
      %dma_wait3A = arith.constant 0 : i32
      %dma_wait3A_30 = tpu.memref_slice %arg5[%add3A_26, %dma_wait3A] : memref<20480x128xf32, #tpu.memory_space<hbm>> -> memref<640x128xf32, #tpu.memory_space<hbm>>
      %dma_wait3A_31 = arith.constant 0 : i32
      %dma_wait3A_32 = tpu.memref_slice %arg8[%mul3A_2, %dma_wait3A_31] : memref<10240x128xf32, #tpu.memory_space<vmem_shared>> -> memref<640x128xf32, #tpu.memory_space<vmem_shared>>
      tpu.wait_dma2 semaphore(%run_scoped3A : memref<!tpu.dma_semaphore, #tpu.memory_space<semaphore_mem>>) src(%dma_wait3A_32 : memref<640x128xf32, #tpu.memory_space<vmem_shared>>) dst(%dma_wait3A_30 : memref<640x128xf32, #tpu.memory_space<hbm>>)
      tpu.yield
    }) : () -> ()
    return
  }
}

module attributes {stable_mosaic.version = 14 : i64} {
  func.func @_mm1_body(%arg0: i32, %arg1: memref<512x128xf32, #tpu.memory_space<vmem>>, %arg2: memref<2x512x128xf32, #tpu.memory_space<vmem>>, %arg3: memref<512x2xf32, #tpu.memory_space<vmem>>, %arg4: memref<128x128xf32, #tpu.memory_space<vmem>>, %arg5: memref<128x128xf32, #tpu.memory_space<vmem>>, %arg6: memref<1x128xf32, #tpu.memory_space<vmem>>, %arg7: memref<512x128xf32, #tpu.memory_space<vmem>>) attributes {dimension_semantics = [#tpu.dimension_semantics<arbitrary>], iteration_bounds = array<i64: 20>, scalar_prefetch = 0 : i64, scratch_operands = 0 : i64, tpu.core_type = #tpu.core_type<tc>, window_params = [{transform_indices = @transform_0, window_bounds = array<i64: 512, 128>}, {transform_indices = @transform_1, window_bounds = array<i64: 2, 512, 128>}, {transform_indices = @transform_2, window_bounds = array<i64: 512, 2>}, {pipeline_mode = #tpu.pipeline_mode<synchronous>, transform_indices = @transform_3, window_bounds = array<i64: 128, 128>}, {pipeline_mode = #tpu.pipeline_mode<synchronous>, transform_indices = @transform_4, window_bounds = array<i64: 128, 128>}, {pipeline_mode = #tpu.pipeline_mode<synchronous>, transform_indices = @transform_5, window_bounds = array<i64: 1, 128>}, {transform_indices = @transform_6, window_bounds = array<i64: 512, 128>}]} {
    %get3A = arith.constant 0 : index
    %get3A_0 = arith.constant 0 : index
    %get3A_1 = vector.load %arg3[%get3A, %get3A_0] : memref<512x2xf32, #tpu.memory_space<vmem>>, vector<512x2xf32>
    %reduce_sum3A = arith.constant dense<0.000000e+00> : vector<512xf32>
    %reduce_sum3A_2 = vector.multi_reduction <add>, %get3A_1, %reduce_sum3A [1] : vector<512x2xf32> to vector<512xf32>
    %broadcast_in_dim3A = vector.shape_cast %reduce_sum3A_2 : vector<512xf32> to vector<512x1xf32>
    %max3A = arith.constant 1.000000e+00 : f32
    %max3A_3 = vector.broadcast %max3A : f32 to vector<512x1xf32>
    %max3A_4 = arith.maximumf %broadcast_in_dim3A, %max3A_3 : vector<512x1xf32>
    %div3A = arith.constant 1.000000e+00 : f32
    %div3A_5 = vector.broadcast %div3A : f32 to vector<512x1xf32>
    %div3A_6 = arith.divf %div3A_5, %max3A_4 : vector<512x1xf32>
    %get3A_7 = arith.constant 0 : index
    %get3A_8 = arith.constant 0 : index
    %get3A_9 = arith.constant 0 : index
    %get3A_10 = vector.load %arg2[%get3A_7, %get3A_8, %get3A_9] : memref<2x512x128xf32, #tpu.memory_space<vmem>>, vector<1x512x128xf32>
    %get3A_11 = vector.shape_cast %get3A_10 : vector<1x512x128xf32> to vector<512x128xf32>
    %get3A_12 = arith.constant 1 : index
    %get3A_13 = arith.constant 0 : index
    %get3A_14 = arith.constant 0 : index
    %get3A_15 = vector.load %arg2[%get3A_12, %get3A_13, %get3A_14] : memref<2x512x128xf32, #tpu.memory_space<vmem>>, vector<1x512x128xf32>
    %get3A_16 = vector.shape_cast %get3A_15 : vector<1x512x128xf32> to vector<512x128xf32>
    %add3A = arith.addf %get3A_11, %get3A_16 : vector<512x128xf32>
    %mul3A = vector.broadcast %div3A_6 : vector<512x1xf32> to vector<512x128xf32>
    %mul3A_17 = arith.mulf %add3A, %mul3A : vector<512x128xf32>
    %get3A_18 = arith.constant 0 : index
    %get3A_19 = arith.constant 0 : index
    %get3A_20 = vector.load %arg1[%get3A_18, %get3A_19] : memref<512x128xf32, #tpu.memory_space<vmem>>, vector<512x128xf32>
    %get3A_21 = arith.constant 0 : index
    %get3A_22 = arith.constant 0 : index
    %get3A_23 = vector.load %arg4[%get3A_21, %get3A_22] : memref<128x128xf32, #tpu.memory_space<vmem>>, vector<128x128xf32>
    %dot_general3A = arith.constant dense<0.000000e+00> : vector<512x128xf32>
    %dot_general3A_24 = tpu.matmul %get3A_20, %get3A_23, %dot_general3A {dimension_numbers = #tpu.dot_dimension_numbers<[1], [0], [0], [1], [0, 0, 1, 1], [], []>, transpose_lhs_hint = false} : vector<512x128xf32>, vector<128x128xf32>, vector<512x128xf32> -> vector<512x128xf32>
    %get3A_25 = arith.constant 0 : index
    %get3A_26 = arith.constant 0 : index
    %get3A_27 = vector.load %arg5[%get3A_25, %get3A_26] : memref<128x128xf32, #tpu.memory_space<vmem>>, vector<128x128xf32>
    %dot_general3A_28 = arith.constant dense<0.000000e+00> : vector<512x128xf32>
    %dot_general3A_29 = tpu.matmul %mul3A_17, %get3A_27, %dot_general3A_28 {dimension_numbers = #tpu.dot_dimension_numbers<[1], [0], [0], [1], [0, 0, 1, 1], [], []>, transpose_lhs_hint = false} : vector<512x128xf32>, vector<128x128xf32>, vector<512x128xf32> -> vector<512x128xf32>
    %add3A_30 = arith.addf %dot_general3A_24, %dot_general3A_29 : vector<512x128xf32>
    %get3A_31 = arith.constant 0 : index
    %get3A_32 = arith.constant 0 : index
    %get3A_33 = vector.load %arg6[%get3A_31, %get3A_32] : memref<1x128xf32, #tpu.memory_space<vmem>>, vector<1x128xf32>
    %add3A_34 = vector.broadcast %get3A_33 : vector<1x128xf32> to vector<512x128xf32>
    %add3A_35 = arith.addf %add3A_30, %add3A_34 : vector<512x128xf32>
    %max3A_36 = arith.constant 0.000000e+00 : f32
    %max3A_37 = vector.broadcast %max3A_36 : f32 to vector<512x128xf32>
    %max3A_38 = arith.maximumf %add3A_35, %max3A_37 : vector<512x128xf32>
    %swap3A = arith.constant 0 : index
    %swap3A_39 = arith.constant 0 : index
    %swap3A_40 = vector.load %arg7[%swap3A, %swap3A_39] : memref<512x128xf32, #tpu.memory_space<vmem>>, vector<512x128xf32>
    tpu.vector_store %arg7[%swap3A, %swap3A_39], %max3A_38 {strides = array<i32>} : memref<512x128xf32, #tpu.memory_space<vmem>>, vector<512x128xf32>,
    return
  }
  func.func @transform_0(%arg0: i32) -> (i32, i32) {
    %c0_i32 = arith.constant 0 : i32
    %c0_i32_0 = arith.constant 0 : i32
    return %arg0, %c0_i32 : i32, i32
  }
  func.func @transform_1(%arg0: i32) -> (i32, i32, i32) {
    %c0_i32 = arith.constant 0 : i32
    %c0_i32_0 = arith.constant 0 : i32
    %c0_i32_1 = arith.constant 0 : i32
    return %c0_i32, %arg0, %c0_i32_0 : i32, i32, i32
  }
  func.func @transform_2(%arg0: i32) -> (i32, i32) {
    %c0_i32 = arith.constant 0 : i32
    %c0_i32_0 = arith.constant 0 : i32
    return %arg0, %c0_i32 : i32, i32
  }
  func.func @transform_3(%arg0: i32) -> (i32, i32) {
    %c0_i32 = arith.constant 0 : i32
    %c0_i32_0 = arith.constant 0 : i32
    %c0_i32_1 = arith.constant 0 : i32
    return %c0_i32, %c0_i32_0 : i32, i32
  }
  func.func @transform_4(%arg0: i32) -> (i32, i32) {
    %c0_i32 = arith.constant 0 : i32
    %c0_i32_0 = arith.constant 0 : i32
    %c0_i32_1 = arith.constant 0 : i32
    return %c0_i32, %c0_i32_0 : i32, i32
  }
  func.func @transform_5(%arg0: i32) -> (i32, i32) {
    %c0_i32 = arith.constant 0 : i32
    %c0_i32_0 = arith.constant 0 : i32
    %c0_i32_1 = arith.constant 0 : i32
    return %c0_i32, %c0_i32_0 : i32, i32
  }
  func.func @transform_6(%arg0: i32) -> (i32, i32) {
    %c0_i32 = arith.constant 0 : i32
    %c0_i32_0 = arith.constant 0 : i32
    return %arg0, %c0_i32 : i32, i32
  }
}

module attributes {stable_mosaic.version = 14 : i64} {
  func.func @_mm2_body(%arg0: i32, %arg1: memref<512x128xf32, #tpu.memory_space<vmem>>, %arg2: memref<2x512x128xf32, #tpu.memory_space<vmem>>, %arg3: memref<512x2xf32, #tpu.memory_space<vmem>>, %arg4: memref<128x128xf32, #tpu.memory_space<vmem>>, %arg5: memref<128x128xf32, #tpu.memory_space<vmem>>, %arg6: memref<1x128xf32, #tpu.memory_space<vmem>>, %arg7: memref<128x64xf32, #tpu.memory_space<vmem>>, %arg8: memref<1x64xf32, #tpu.memory_space<vmem>>, %arg9: memref<512x64xf32, #tpu.memory_space<vmem>>) attributes {dimension_semantics = [#tpu.dimension_semantics<arbitrary>], iteration_bounds = array<i64: 20>, scalar_prefetch = 0 : i64, scratch_operands = 0 : i64, tpu.core_type = #tpu.core_type<tc>, window_params = [{transform_indices = @transform_0, window_bounds = array<i64: 512, 128>}, {transform_indices = @transform_1, window_bounds = array<i64: 2, 512, 128>}, {transform_indices = @transform_2, window_bounds = array<i64: 512, 2>}, {pipeline_mode = #tpu.pipeline_mode<synchronous>, transform_indices = @transform_3, window_bounds = array<i64: 128, 128>}, {pipeline_mode = #tpu.pipeline_mode<synchronous>, transform_indices = @transform_4, window_bounds = array<i64: 128, 128>}, {pipeline_mode = #tpu.pipeline_mode<synchronous>, transform_indices = @transform_5, window_bounds = array<i64: 1, 128>}, {pipeline_mode = #tpu.pipeline_mode<synchronous>, transform_indices = @transform_6, window_bounds = array<i64: 128, 64>}, {pipeline_mode = #tpu.pipeline_mode<synchronous>, transform_indices = @transform_7, window_bounds = array<i64: 1, 64>}, {transform_indices = @transform_8, window_bounds = array<i64: 512, 64>}]} {
    %get3A = arith.constant 0 : index
    %get3A_0 = arith.constant 0 : index
    %get3A_1 = vector.load %arg3[%get3A, %get3A_0] : memref<512x2xf32, #tpu.memory_space<vmem>>, vector<512x2xf32>
    %reduce_sum3A = arith.constant dense<0.000000e+00> : vector<512xf32>
    %reduce_sum3A_2 = vector.multi_reduction <add>, %get3A_1, %reduce_sum3A [1] : vector<512x2xf32> to vector<512xf32>
    %broadcast_in_dim3A = vector.shape_cast %reduce_sum3A_2 : vector<512xf32> to vector<512x1xf32>
    %max3A = arith.constant 1.000000e+00 : f32
    %max3A_3 = vector.broadcast %max3A : f32 to vector<512x1xf32>
    %max3A_4 = arith.maximumf %broadcast_in_dim3A, %max3A_3 : vector<512x1xf32>
    %div3A = arith.constant 1.000000e+00 : f32
    %div3A_5 = vector.broadcast %div3A : f32 to vector<512x1xf32>
    %div3A_6 = arith.divf %div3A_5, %max3A_4 : vector<512x1xf32>
    %get3A_7 = arith.constant 0 : index
    %get3A_8 = arith.constant 0 : index
    %get3A_9 = arith.constant 0 : index
    %get3A_10 = vector.load %arg2[%get3A_7, %get3A_8, %get3A_9] : memref<2x512x128xf32, #tpu.memory_space<vmem>>, vector<1x512x128xf32>
    %get3A_11 = vector.shape_cast %get3A_10 : vector<1x512x128xf32> to vector<512x128xf32>
    %get3A_12 = arith.constant 1 : index
    %get3A_13 = arith.constant 0 : index
    %get3A_14 = arith.constant 0 : index
    %get3A_15 = vector.load %arg2[%get3A_12, %get3A_13, %get3A_14] : memref<2x512x128xf32, #tpu.memory_space<vmem>>, vector<1x512x128xf32>
    %get3A_16 = vector.shape_cast %get3A_15 : vector<1x512x128xf32> to vector<512x128xf32>
    %add3A = arith.addf %get3A_11, %get3A_16 : vector<512x128xf32>
    %mul3A = vector.broadcast %div3A_6 : vector<512x1xf32> to vector<512x128xf32>
    %mul3A_17 = arith.mulf %add3A, %mul3A : vector<512x128xf32>
    %get3A_18 = arith.constant 0 : index
    %get3A_19 = arith.constant 0 : index
    %get3A_20 = vector.load %arg1[%get3A_18, %get3A_19] : memref<512x128xf32, #tpu.memory_space<vmem>>, vector<512x128xf32>
    %get3A_21 = arith.constant 0 : index
    %get3A_22 = arith.constant 0 : index
    %get3A_23 = vector.load %arg4[%get3A_21, %get3A_22] : memref<128x128xf32, #tpu.memory_space<vmem>>, vector<128x128xf32>
    %dot_general3A = arith.constant dense<0.000000e+00> : vector<512x128xf32>
    %dot_general3A_24 = tpu.matmul %get3A_20, %get3A_23, %dot_general3A {dimension_numbers = #tpu.dot_dimension_numbers<[1], [0], [0], [1], [0, 0, 1, 1], [], []>, transpose_lhs_hint = false} : vector<512x128xf32>, vector<128x128xf32>, vector<512x128xf32> -> vector<512x128xf32>
    %get3A_25 = arith.constant 0 : index
    %get3A_26 = arith.constant 0 : index
    %get3A_27 = vector.load %arg5[%get3A_25, %get3A_26] : memref<128x128xf32, #tpu.memory_space<vmem>>, vector<128x128xf32>
    %dot_general3A_28 = arith.constant dense<0.000000e+00> : vector<512x128xf32>
    %dot_general3A_29 = tpu.matmul %mul3A_17, %get3A_27, %dot_general3A_28 {dimension_numbers = #tpu.dot_dimension_numbers<[1], [0], [0], [1], [0, 0, 1, 1], [], []>, transpose_lhs_hint = false} : vector<512x128xf32>, vector<128x128xf32>, vector<512x128xf32> -> vector<512x128xf32>
    %add3A_30 = arith.addf %dot_general3A_24, %dot_general3A_29 : vector<512x128xf32>
    %get3A_31 = arith.constant 0 : index
    %get3A_32 = arith.constant 0 : index
    %get3A_33 = vector.load %arg6[%get3A_31, %get3A_32] : memref<1x128xf32, #tpu.memory_space<vmem>>, vector<1x128xf32>
    %add3A_34 = vector.broadcast %get3A_33 : vector<1x128xf32> to vector<512x128xf32>
    %add3A_35 = arith.addf %add3A_30, %add3A_34 : vector<512x128xf32>
    %get3A_36 = arith.constant 0 : index
    %get3A_37 = arith.constant 0 : index
    %get3A_38 = vector.load %arg7[%get3A_36, %get3A_37] : memref<128x64xf32, #tpu.memory_space<vmem>>, vector<128x64xf32>
    %dot_general3A_39 = arith.constant dense<0.000000e+00> : vector<512x64xf32>
    %dot_general3A_40 = tpu.matmul %add3A_35, %get3A_38, %dot_general3A_39 {dimension_numbers = #tpu.dot_dimension_numbers<[1], [0], [0], [1], [0, 0, 1, 1], [], []>, transpose_lhs_hint = false} : vector<512x128xf32>, vector<128x64xf32>, vector<512x64xf32> -> vector<512x64xf32>
    %get3A_41 = arith.constant 0 : index
    %get3A_42 = arith.constant 0 : index
    %get3A_43 = vector.load %arg8[%get3A_41, %get3A_42] : memref<1x64xf32, #tpu.memory_space<vmem>>, vector<1x64xf32>
    %add3A_44 = vector.broadcast %get3A_43 : vector<1x64xf32> to vector<512x64xf32>
    %add3A_45 = arith.addf %dot_general3A_40, %add3A_44 : vector<512x64xf32>
    %swap3A = arith.constant 0 : index
    %swap3A_46 = arith.constant 0 : index
    %swap3A_47 = vector.load %arg9[%swap3A, %swap3A_46] : memref<512x64xf32, #tpu.memory_space<vmem>>, vector<512x64xf32>
    tpu.vector_store %arg9[%swap3A, %swap3A_46], %add3A_45 {strides = array<i32>} : memref<512x64xf32, #tpu.memory_space<vmem>>, vector<512x64xf32>,
    return
  }
  func.func @transform_0(%arg0: i32) -> (i32, i32) {
    %c0_i32 = arith.constant 0 : i32
    %c0_i32_0 = arith.constant 0 : i32
    return %arg0, %c0_i32 : i32, i32
  }
  func.func @transform_1(%arg0: i32) -> (i32, i32, i32) {
    %c0_i32 = arith.constant 0 : i32
    %c0_i32_0 = arith.constant 0 : i32
    %c0_i32_1 = arith.constant 0 : i32
    return %c0_i32, %arg0, %c0_i32_0 : i32, i32, i32
  }
  func.func @transform_2(%arg0: i32) -> (i32, i32) {
    %c0_i32 = arith.constant 0 : i32
    %c0_i32_0 = arith.constant 0 : i32
    return %arg0, %c0_i32 : i32, i32
  }
  func.func @transform_3(%arg0: i32) -> (i32, i32) {
    %c0_i32 = arith.constant 0 : i32
    %c0_i32_0 = arith.constant 0 : i32
    %c0_i32_1 = arith.constant 0 : i32
    return %c0_i32, %c0_i32_0 : i32, i32
  }
  func.func @transform_4(%arg0: i32) -> (i32, i32) {
    %c0_i32 = arith.constant 0 : i32
    %c0_i32_0 = arith.constant 0 : i32
    %c0_i32_1 = arith.constant 0 : i32
    return %c0_i32, %c0_i32_0 : i32, i32
  }
  func.func @transform_5(%arg0: i32) -> (i32, i32) {
    %c0_i32 = arith.constant 0 : i32
    %c0_i32_0 = arith.constant 0 : i32
    %c0_i32_1 = arith.constant 0 : i32
    return %c0_i32, %c0_i32_0 : i32, i32
  }
  func.func @transform_6(%arg0: i32) -> (i32, i32) {
    %c0_i32 = arith.constant 0 : i32
    %c0_i32_0 = arith.constant 0 : i32
    %c0_i32_1 = arith.constant 0 : i32
    return %c0_i32, %c0_i32_0 : i32, i32
  }
  func.func @transform_7(%arg0: i32) -> (i32, i32) {
    %c0_i32 = arith.constant 0 : i32
    %c0_i32_0 = arith.constant 0 : i32
    %c0_i32_1 = arith.constant 0 : i32
    return %c0_i32, %c0_i32_0 : i32, i32
  }
  func.func @transform_8(%arg0: i32) -> (i32, i32) {
    %c0_i32 = arith.constant 0 : i32
    %c0_i32_0 = arith.constant 0 : i32
    return %arg0, %c0_i32 : i32, i32
  }
}

</mosaic_0001>

<sc_bundles>
// kernel: kernel.6.cloned.1.call-start
scs
__scs_entry_jumppad:
0x0: {  	(pc) =	sbr.rel $0x88, $3  }
0x1: {  	(tag) =	ssettag $0x0;
	lr =	simm.s32 $0x1  }
0x2: {  	[smem:$0x3F97] =	sst lr;
	_ =	strace $0xD0000000  }
0x3: {  	_ = 	snop  }
0x4: {  	_ = 	snop  }
0x5: {  	_ = 	snop  }
0x6: {  	_ = 	snop  }
0x7: {  	_ = 	snop  }
__scs_overlays_trampoline_lowered:
0x8: {  	[smem:$0x3FA6] =	sst s0  }
0x9: {  	[smem:$0x3FA7] =	sst s1  }
0xa: {  	[smem:$0x3FA8] =	sst s2  }
0xb: {  	[smem:$0x3FA9] =	sst s3  }
0xc: {  	[smem:$0x3FAA] =	sst s4  }
0xd: {  	[smem:$0x3FAB] =	sst s5  }
0xe: {  	[smem:$0x3FAC] =	sst s6  }
0xf: {  	[smem:$0x3FAD] =	sst s7  }
0x10: {  	[smem:$0x3FAE] =	sst s8  }
0x11: {  	[smem:$0x3FAF] =	sst s9;
	s0 =	simm.s32 @!p0 $0x0  }
0x12: {  	s1 =	sld [smem:$0x3F95];
	s0 =	simm.s32 @p0 $0x1  }
0x13: {  	[smem:$0x3FB0] =	sst s0;
	s0 =	simm.s32 @!p1 $0x0  }
0x14: {  	s2 =	sld [smem:$0x3F94];
	s0 =	simm.s32 @p1 $0x1  }
0x15: {  	[smem:$0x3FB1] =	sst s0;
	s0 =	simm.s32 @!p2 $0x0  }
0x16: {  	s3 =	sld [smem:$0x3FDB];
	s0 =	simm.s32 @p2 $0x1  }
0x17: {  	s4 =	simm.s32 $0x1BF5;
	[smem:$0x3FB3] =	sst s0  }
0x18: {  	s0 =	sld [smem:$0x3F96];
	_ =	swait.ge [sflag:s4], $0x0  }
0x19: {  	s7 =	sld [smem:$0x3F97]  }
0x1a: {  	s8 =	sadd.s32 $0xFFFFE003, lr  }
0x1b: {  	s9 =	sadd.s32 $0xFFFFFEF7, lr;
	s5 =	simm.s32 $0xFFFFFFFF;
	p2 =	slt.u32 s8, $0xFFFFF086  }
0x1c: {  	p1 =	slt.u32 s9, $0xF7A;
	s5 =	simm.s32 @!p2 $0x0  }
0x1d: {  	s5 =	simm.s32 @p1 $0x1;
	p0 =	seq.s32 s7, s2  }
0x1e: {  	s7 =	smul.u32 @!p0 $0xF7A, s2;
	p2 =	seq.s32 @!p0 s5, $0x0  }
0x1f: {  	s9 =	smul.u32 $0xF7A, s1;
	s8 =	simm.s32 @!p0 $0x1BF5;
	p2 =	por !p2, p0  }
0x20: {  	[sflag:s8] =	ssyncset.s32 @!p0 $0xFFFFF086;
	s6 =	sadd.s32 @!p0 s3, s7;
	s7 =	simm.s32 @!p0 $0x108  }
0x21: {  	s3 =	sadd.s32 s3, s9;
	s6 =	sadd.s32 @!p0 $0x88, s6;
	s7 =	simm.s32 @p2 $0x1082  }
0x22: {  	[simem:s7], [sflag:s8] =	dma.local @!p0 [hbm:s6], $0xF7A  }
0x23: {  	s9 =	sor.u32 $0xD0000000, s2;
	s6 =	simm.s32 $0x108;
	_ =	swait.ge @!p0 [sflag:s8], $0x0  }
0x24: {  	s3 =	sadd.s32 $0x88, s3;
	s6 =	simm.s32 @!p1 $0x1082;
	[sflag:s4] =	ssyncset.s32 $0xFFFFF086  }
0x25: {  	[simem:s6], [sflag:s4] =	dma.local [hbm:s3], $0xF7A  }
0x26: {  	[smem:$0x3F97] =	sst s1;
	(tag) =	ssettag s2;
	_ =	strace s9  }
0x27: {  	s1 =	sld [smem:$0x3FA7]  }
0x28: {  	s2 =	sld [smem:$0x3FA8]  }
0x29: {  	s4 =	sld [smem:$0x3FAA]  }
0x2a: {  	p0 =	seq.s32 s5, $0x0;
	s5 =	sld [smem:$0x3FAB]  }
0x2b: {  	s6 =	sld [smem:$0x3FAC]  }
0x2c: {  	s7 =	sld [smem:$0x3FAD]  }
0x2d: {  	s3 =	simm.s32 $0x108;
	s8 =	sld [smem:$0x3FAE]  }
0x2e: {  	s3 =	simm.s32 @!p0 $0x1082;
	s9 =	sld [smem:$0x3FAF]  }
0x2f: {  	lr =	sadd.s32 s0, s3;
	s0 =	sld [smem:$0x3FA6]  }
0x30: {  	s3 =	sld [smem:$0x3FA9]  }
0x31: {  	[smem:$0x3FB2] =	sst s10  }
0x32: {  	s10 =	sld [smem:$0x3FB0];
	_ =	sdelay $0x3  }
0x33: {  	p0 =	seq.s32 s10, $0x1;
	s10 =	sld [smem:$0x3FB2];
	_ =	sdelay $0x3  }
0x34: {  	[smem:$0x3FB2] =	sst s10  }
0x35: {  	s10 =	sld [smem:$0x3FB1];
	_ =	sdelay $0x3  }
0x36: {  	p1 =	seq.s32 s10, $0x1;
	s10 =	sld [smem:$0x3FB2];
	_ =	sdelay $0x3  }
0x37: {  	[smem:$0x3FB2] =	sst s10  }
0x38: {  	s10 =	sld [smem:$0x3FB3]  }
0x39: {  	_ = 	snop;
	(pc) =	sbr.ind lr, $3  }
0x3a: {  	_ = 	snop  }
0x3b: {  	_ = 	snop  }
0x3c: {  	p2 =	seq.s32 s10, $0x1;
	s10 =	sld [smem:$0x3FB2]  }
0x3d: {  	_ =	shalt  }
0x3e: {  	_ =	shalt  }
0x3f: {  	_ =	shalt  }
0x40: {  	_ =	shalt  }
0x41: {  	_ =	shalt  }
0x42: {  	_ =	shalt  }
0x43: {  	_ =	shalt  }
0x44: {  	_ =	shalt  }
0x45: {  	_ =	shalt  }
0x46: {  	_ =	shalt  }
0x47: {  	_ =	shalt  }
0x48: {  	_ =	shalt  }
0x49: {  	_ =	shalt  }
0x4a: {  	_ =	shalt  }
0x4b: {  	_ =	shalt  }
0x4c: {  	_ =	shalt  }
0x4d: {  	_ =	shalt  }
0x4e: {  	_ =	shalt  }
0x4f: {  	_ =	shalt  }
0x50: {  	_ =	shalt  }
0x51: {  	_ =	shalt  }
0x52: {  	_ =	shalt  }
0x53: {  	_ =	shalt  }
0x54: {  	_ =	shalt  }
0x55: {  	_ =	shalt  }
0x56: {  	_ =	shalt  }
0x57: {  	_ =	shalt  }
0x58: {  	_ =	shalt  }
0x59: {  	_ =	shalt  }
0x5a: {  	_ =	shalt  }
0x5b: {  	_ =	shalt  }
0x5c: {  	_ =	shalt  }
0x5d: {  	_ =	shalt  }
0x5e: {  	_ =	shalt  }
0x5f: {  	_ =	shalt  }
0x60: {  	_ =	shalt  }
0x61: {  	_ =	shalt  }
0x62: {  	_ =	shalt  }
0x63: {  	_ =	shalt  }
0x64: {  	_ =	shalt  }
0x65: {  	_ =	shalt  }
0x66: {  	_ =	shalt  }
0x67: {  	_ =	shalt  }
0x68: {  	_ =	shalt  }
0x69: {  	_ =	shalt  }
0x6a: {  	_ =	shalt  }
0x6b: {  	_ =	shalt  }
0x6c: {  	_ =	shalt  }
0x6d: {  	_ =	shalt  }
0x6e: {  	_ =	shalt  }
0x6f: {  	_ =	shalt  }
0x70: {  	_ =	shalt  }
0x71: {  	_ =	shalt  }
0x72: {  	_ =	shalt  }
0x73: {  	_ =	shalt  }
0x74: {  	_ =	shalt  }
0x75: {  	_ =	shalt  }
0x76: {  	_ =	shalt  }
0x77: {  	_ =	shalt  }
0x78: {  	_ =	shalt  }
0x79: {  	_ =	shalt  }
0x7a: {  	_ =	shalt  }
0x7b: {  	_ =	shalt  }
0x7c: {  	_ =	shalt  }
0x7d: {  	_ =	shalt  }
0x7e: {  	_ =	shalt  }
0x7f: {  	_ =	shalt  }
0x80: {  	_ =	shalt  }
0x81: {  	_ =	shalt  }
0x82: {  	_ =	shalt  }
0x83: {  	_ =	shalt  }
0x84: {  	_ =	shalt  }
0x85: {  	_ =	shalt  }
0x86: {  	_ =	shalt  }
0x87: {  	_ =	shalt  }
.Lfunc_end0:
.L_simem_size_0:
called_computation_lowered:
.L_overlay_start_0:
0x88: {  	s2 =	sld [smem:$0x3FD9]  }
0x89: {  	s3 =	sld [smem:$0x3FFE];
	_ =	sdelay $0x1  }
0x8a: {  	s1 =	srdreg.scid  }
0x8b: {  	s0 =	sand.u32 $0x1, s1  }
0x8c: {  	s17 =	sshll.u32 s0, $0xA;
	s2 =	sadd.s32 s3, s2  }
0x8d: {  	s2 =	sadd.s32 s2, s17  }
0x8e: {  	[smem:$0x3FBE] =	sst s2  }
0x8f: {  	_ = 	snop  }
0x90: {  	s2 =	sld [smem:$0x3FD0];
	(tm) =	ssettm $0x1  }
0x91: {  	s18 =	sld [smem:$0x3FFB];
	_ =	sdelay $0x3  }
0x92: {  	_ =	strace s18  }
0x93: {  	s3 =	sld [smem:$0x3FFC];
	_ =	sdelay $0x3  }
0x94: {  	_ =	strace s3  }
0x95: {  	s3 =	sld [smem:$0x3FFD];
	_ =	sdelay $0x3  }
0x96: {  	_ =	strace s3  }
0x97: {  	_ =	strace $0x8FFFFFFF  }
0x98: {  	s19 =	sld [smem:$0x3FDB];
	_ =	sdelay $0x1  }
0x99: {  	s4 =	simm.s32 $_scs_section_size  }
0x9a: {  	s5 =	simm.s32 $_size__tile_overlayer_lowered;
	s6 =	simm.s32 $_tile_overlayer_lowered  }
0x9b: {  	s22 =	simm.s32 $0x1BFF;
	s21 =	sshll.u32 s6, $0x1;
	s3 =	sadd.s32 s4, s19  }
0x9c: {  	s7 =	simm.s32 $0x0;
	s20 =	sshll.u32 s5, $0x1;
	s5 =	sadd.s32 s21, s3  }
0x9d: {  	[timem:s7], [sflag:s22] =	dma.local [hbm:s5], s20  }
0x9e: {  	_ =	swait.ge [sflag:s22], s20  }
0x9f: {  	s4 =	ssub.s32 $0x0, s20;
	[sflag:s22] =	ssyncset.done $0x0  }
0xa0: {  	[sflag:s22] =	ssyncadd.s32 s4;
	_ =	sdelay $0x1  }
0xa1: {  	s23 =	simm.s32 $0x1B8B  }
0xa2: {  	_ =	swait.ge [sflag:s23], $0x1  }
0xa3: {  	[sflag:s23] =	ssyncset.done $0x0  }
0xa4: {  	s25 =	simm.s32 $0x1B8E;
	s24 =	sld [smem:$0x3FFE];
	[sflag:s23] =	ssyncadd.s32 $0xFFFFFFFF  }
0xa5: {  	s26 =	simm.s32 $execute0_lowered;
	[smem:$0x3FD2] =	sst s25  }
0xa6: {  	s5 =	sshll.u32 s26, $0x1;
	_ =	strace $0x80000046;
	[dreg:$0x1] =	wrdreg $0xFFFFFFFF  }
0xa7: {  	s28 =	simm.s32 $_size_execute0_lowered;
	s3 =	sadd.s32 s3, s5;
	[dreg:$0x0] =	wrdreg $0x0  }
0xa8: {  	s5 =	sshll.u32 s28, $0x1;
	[dreg:$0x2] =	wrdreg s3  }
0xa9: {  	[dreg:$0x3] =	wrdreg s5  }
0xaa: {  	[dreg:$0x4] =	wrdreg $0xC0  }
0xab: {  	_ =	task [dreg:s7], $0x5FFFF  }
0xac: {  	[dreg:$0x1] =	wrdreg $0xFFFFFFFF  }
0xad: {  	[dreg:$0x0] =	wrdreg $0x60  }
0xae: {  	[dreg:$0x2] =	wrdreg s24  }
0xaf: {  	[dreg:$0x3] =	wrdreg s2  }
0xb0: {  	[dreg:$0x4] =	wrdreg $0x41000  }
0xb1: {  	[dreg:$0x5] =	wrdreg $0x181800  }
0xb2: {  	[dreg:$0x6] =	wrdreg $0x9  }
0xb3: {  	_ =	task.clear_ibuf [dreg:s7], $0x7FFFF;
	_ =	strace $0x90000046  }
0xb4: {  	s29 =	simm.s32 $0x9;
	_ =	strace $0x80000048  }
0xb5: {  	_ =	swait.ge [sflag:s29], $0x1  }
0xb6: {  	[sflag:s29] =	ssyncadd.s32 $0xFFFFFFFF  }
0xb7: {  	_ =	strace $0x90000048  }
0xb8: {  	_ =	sfence  }
0xb9: {  	s30 =	sld [smem:$0x0];
	_ =	sdelay $0x2  }
0xba: {  	s31 =	sshll.u32 s1, $0xD;
	s1 =	sshrl.u32 s1, $0x2  }
0xbb: {  	s3 =	sand.u32 $0x4000, s31;
	s1 =	sadd.s32 s1, s30  }
0xbc: {  	s0 =	sor.u32 s3, s0;
	s1 =	sshll.u32 s1, $0x11  }
0xbd: {  	s0 =	sor.u32 s1, s0  }
0xbe: {  	s0 =	sadd.s32 $0x8F2B, s0  }
0xbf: {  	[sflag:s0] =	ssyncadd.remote.s32 $0x1  }
0xc0: {  	_ =	sfence.sel $0xFFFF  }
0xc1: {  	[dreg:$0x0] =	wrdreg $0xFFFFFFFF;
	(pc) =	sbr.abs _section_cstart, $3  }
0xc2: {  	[dreg:$0x1] =	wrdreg $0xFFFFFFFF  }
0xc3: {  	_ =	task.clear_ibuf [dreg:s7], $0x2FFFF;
	_ =	strace $0x9FFFFFFF  }
0xc4: {  	(tm) =	ssettm $0x7FFFFFFF  }
0xc5: {  	_ =	shalt  }
tec
execute0_lowered:
.L_overlay_start_1:
0x0: {  	(tag) =	ssettag $0x1  }
0x1: {  	s6 =	rddreg [dreg:$0x0]  }
0x2: {  	s16 =	rddreg [dreg:$0x1]  }
0x3: {  	s2 =	rddreg [dreg:$0x2];
	s0 =	stileid.u32  }
0x4: {  	s1 =	srdreg.scid;
	s3 =	rddreg [dreg:$0x3]  }
0x5: {  	s4 =	simm.s32 $0x0;
	s20 =	simm.s32 $0x40;
	s21 =	simm.s32 $0x100  }
0x6: {  	s22 =	simm.s32 $0x2100;
	s23 =	simm.s32 $0x1;
	s24 =	simm.s32 $0x2  }
0x7: {  	s25 =	simm.s32 $0x80;
	s26 =	simm.s32 $0x0;
	s7 =	smul.u32 $0x280, s0  }
0x8: {  	s11 =	sand.u32 $0x1, s1;
	s1 =	rddreg [dreg:$0x4];
	s8 =	smul.u32 $0x2800, s0  }
0x9: {  	[smem:$0x7FF] =	sst s4;
	s12 =	smul.u32 $0x50000, s0;
	s31 =	sshll.u32 s0, $0x6  }
0xa: {  	s5 =	smul.u32 $0x2800, s11;
	_ =	strace $0x80000047;
	s30 =	ssub.s32 $0x2, s11  }
0xb: {  	p0 =	seq.s32 s11, $0x0;
	s8 =	sadd.s32 s8, s6;
	s14 =	sshrl.u32 s30, $0x1  }
0xc: {  	s12 =	sshrl.u32 s12, $0x2;
	s9 =	sadd.s32 s7, s5;
	s5 =	sadd.s32 $0x2800, s6  }
0xd: {  	s17 =	ssub.s32 s30, s14;
	s18 =	sadd.s32 s12, s2;
	s10 =	sshll.u32 s9, $0x4  }
0xe: {  	s14 =	smul.u32 $0x4F, s0;
	s9 =	sshrl.u32 s9, $0x3;
	s13 =	sadd.s32 s10, s6  }
0xf: {  	s15 =	sadd.s32 s9, s6;
	s6 =	sadd.s32 s7, s3;
	s7 =	sadd.s32 $0x2A800, s8  }
0x10: {  	s8 =	sor.u32 $0x1C03, s31;
	s19 =	sadd.s32 $0x4F0, s14;
	s9 =	sadd.s32 $0x80, s6  }
0x11: {  	s10 =	sadd.s32 $0x100, s6;
	s11 =	sadd.s32 $0x180, s6;
	s12 =	sadd.s32 $0x200, s6  }
0x12: {  	s19 =	smov.u32 @p0 s14;
	s13 =	sadd.s32 $0x53200, s13;
	s14 =	sadd.s32 $0x52800, s15  }
0x13: {  	s15 =	smax.u32 s17, $0x1;
	s17 =	sshrl.u32 s18, $0x3;
	s19 =	sshll.u32 s19, $0x5  }
0x14: {  	v0 =	vimm.f32 $0.0e+00;
	v1 =	vimm.f32 $1.000000000e+00;
	s18 =	simm.s32 $0x3;
	s16 =	sadd.s32 s19, s16;
	s19 =	simm.s32 $0x18100  }
.LBB2_1:
0x15: {  	[spmem:s17], [sflag:s8] =	dma.local [hbm:s7], $0x2800  }
0x16: {  	_ =	swait.ge [sflag:s18], $0x2800  }
0x17: {  	[sflag:s18] =	ssyncset.done $0x0  }
0x18: {  	[sflag:s18] =	ssyncadd.s32 $0xFFFFD800  }
0x19: {  	[tilespmem:$0x18100] =	vst v0  }
0x1a: {  	[tilespmem:$0x18110] =	vst v0  }
0x1b: {  	[tilespmem:$0x18120] =	vst v0  }
0x1c: {  	[tilespmem:$0x18130] =	vst v0  }
0x1d: {  	[tilespmem:$0x18140] =	vst v0  }
0x1e: {  	[tilespmem:$0x18150] =	vst v0  }
0x1f: {  	[tilespmem:$0x18160] =	vst v0  }
0x20: {  	[tilespmem:$0x18170] =	vst v0  }
0x21: {  	[spmem:s6] =	stream.linear.scatter [tilespmem:s19], [sflag:$0x3], $0x80, $0x38;
	[tilespmem:$0x18400] =	vst v63  }
0x22: {  	_ =	swait.ge [sflag:s18], $0x80  }
0x23: {  	[sflag:s18] =	ssyncset.done $0x0  }
0x24: {  	[sflag:s18] =	ssyncadd.s32 $0xFFFFFF80  }
0x25: {  	[spmem:s9] =	stream.linear.scatter [tilespmem:s19], [sflag:$0x3], $0x80, $0x38;
	[tilespmem:$0x18400] =	vst v63  }
0x26: {  	_ =	swait.ge [sflag:s18], $0x80  }
0x27: {  	[sflag:s18] =	ssyncset.done $0x0  }
0x28: {  	[sflag:s18] =	ssyncadd.s32 $0xFFFFFF80  }
0x29: {  	[spmem:s10] =	stream.linear.scatter [tilespmem:s19], [sflag:$0x3], $0x80, $0x38;
	[tilespmem:$0x18400] =	vst v63  }
0x2a: {  	_ =	swait.ge [sflag:s18], $0x80  }
0x2b: {  	[sflag:s18] =	ssyncset.done $0x0  }
0x2c: {  	[sflag:s18] =	ssyncadd.s32 $0xFFFFFF80  }
0x2d: {  	[spmem:s11] =	stream.linear.scatter [tilespmem:s19], [sflag:$0x3], $0x80, $0x38;
	[tilespmem:$0x18400] =	vst v63  }
0x2e: {  	_ =	swait.ge [sflag:s18], $0x80  }
0x2f: {  	[sflag:s18] =	ssyncset.done $0x0  }
0x30: {  	[sflag:s18] =	ssyncadd.s32 $0xFFFFFF80  }
0x31: {  	[spmem:s12] =	stream.linear.scatter [tilespmem:s19], [sflag:$0x3], $0x80, $0x38;
	[tilespmem:$0x18400] =	vst v63  }
0x32: {  	_ =	swait.ge [sflag:s18], $0x80  }
0x33: {  	[sflag:s18] =	ssyncset.done $0x0  }
0x34: {  	[sflag:s18] =	ssyncadd.s32 $0xFFFFFF80  }
0x35: {  	[tilespmem:$0x18100] =	vst v1  }
0x36: {  	[tilespmem:$0x18110] =	vst v1  }
0x37: {  	[tilespmem:$0x18120] =	vst v1  }
0x38: {  	[tilespmem:$0x18130] =	vst v1  }
0x39: {  	[tilespmem:$0x18140] =	vst v1  }
0x3a: {  	[tilespmem:$0x18150] =	vst v1  }
0x3b: {  	[tilespmem:$0x18160] =	vst v1  }
0x3c: {  	[tilespmem:$0x18170] =	vst v1  }
0x3d: {  	s28 =	sadd.s32 $0x0, s16;
	[bflag:$0x0] =	sbarrier.arrive $0xFFFF  }
0x3e: {  	[tilespmem:s4], [sflag:$0x3] =	stream.linear.gather [hbm4b:s28+s4], $0x100, $0x38;
	[tilespmem:$0x18400] =	vst v63  }
0x3f: {  	_ =	swait.ge [sflag:s18], $0x100  }
0x40: {  	[sflag:s18] =	ssyncset.done $0x0  }
0x41: {  	[sflag:s18] =	ssyncadd.s32 $0xFFFFFF00  }
0x42: {  	[tilespmem:s21], [sflag:$0x1] =	stream.indirect.gather [hbm4b:s5+s20], $0x80, s4, s20, $0xb8;
	[tilespmem:$0x18400] =	vst v63  }
0x43: {  	_ = 	snop  }
0x44: {  	[tilespmem:s22], [sflag:$0x2] =	stream.indirect.gather [hbm4b:s5+s20], $0x80, s20, s20, $0xb8;
	[tilespmem:$0x18400] =	vst v63  }
0x45: {  	_ =	swait.ge [sflag:s23], $0x2000  }
0x46: {  	[sflag:s23] =	ssyncset.done $0x0  }
0x47: {  	[sflag:s23] =	ssyncadd.s32 $0xFFFFE000  }
0x48: {  	_ =	swait.ge [sflag:s24], $0x2000  }
0x49: {  	[sflag:s24] =	ssyncset.done $0x0  }
0x4a: {  	[sflag:s24] =	ssyncadd.s32 $0xFFFFE000  }
0x4b: {  	[spmem:s2] =	stream.indirect.scatter.add.f32 [tilespmem:s21], [sflag:$0x3], $0x80, s25, s25, $0xb8;
	[tilespmem:$0x18400] =	vst v63  }
0x4c: {  	_ =	swait.ge [sflag:s18], $0x4000  }
0x4d: {  	[sflag:s18] =	ssyncset.done $0x0  }
0x4e: {  	[sflag:s18] =	ssyncadd.s32 $0xFFFFC000  }
0x4f: {  	[spmem:s3] =	stream.indirect.scatter.add.f32 [tilespmem:s19], [sflag:$0x3], $0x1, s25, s25, $0xb8;
	[tilespmem:$0x18400] =	vst v63  }
0x50: {  	_ =	swait.ge [sflag:s18], $0x80  }
0x51: {  	s29 =	simm.s32 $0x40;
	s28 =	simm.s32 $0x20;
	[sflag:s18] =	ssyncset.done $0x0  }
.LBB2_2:
0x52: {  	s30 =	sadd.s32 s28, s16  }
0x53: {  	[sflag:s18] =	ssyncadd.s32 $0xFFFFFF80;
	s28 =	smov.u32 s29;
	s31 =	sadd.s32 $0x20, s29  }
0x54: {  	[tilespmem:s4], [sflag:$0x3] =	stream.linear.gather [hbm4b:s30+s4], $0x100, $0x38;
	[tilespmem:$0x18400] =	vst v63  }
0x55: {  	p0 =	sne.s32 s29, $0x9C0;
	_ =	swait.ge [sflag:s18], $0x100  }
0x56: {  	[sflag:s18] =	ssyncset.done $0x0  }
0x57: {  	[sflag:s18] =	ssyncadd.s32 $0xFFFFFF00  }
0x58: {  	[tilespmem:s21], [sflag:$0x1] =	stream.indirect.gather [hbm4b:s5+s20], $0x80, s4, s20, $0xb8;
	[tilespmem:$0x18400] =	vst v63  }
0x59: {  	_ = 	snop  }
0x5a: {  	[tilespmem:s22], [sflag:$0x2] =	stream.indirect.gather [hbm4b:s5+s20], $0x80, s20, s20, $0xb8;
	[tilespmem:$0x18400] =	vst v63  }
0x5b: {  	_ =	swait.ge [sflag:s23], $0x2000  }
0x5c: {  	[sflag:s23] =	ssyncset.done $0x0  }
0x5d: {  	[sflag:s23] =	ssyncadd.s32 $0xFFFFE000  }
0x5e: {  	_ =	swait.ge [sflag:s24], $0x2000  }
0x5f: {  	[sflag:s24] =	ssyncset.done $0x0  }
0x60: {  	[sflag:s24] =	ssyncadd.s32 $0xFFFFE000  }
0x61: {  	[spmem:s2] =	stream.indirect.scatter.add.f32 [tilespmem:s21], [sflag:$0x3], $0x80, s25, s25, $0xb8;
	[tilespmem:$0x18400] =	vst v63  }
0x62: {  	_ =	swait.ge [sflag:s18], $0x4000  }
.Ltmp0:
0x63: {  	[sflag:s18] =	ssyncset.done $0x0;
	(pc) =	sbr.rel @p0 .LBB2_2-.Ltmp0, $4  }
0x64: {  	[sflag:s18] =	ssyncadd.s32 $0xFFFFC000  }
0x65: {  	[spmem:s3] =	stream.indirect.scatter.add.f32 [tilespmem:s19], [sflag:$0x3], $0x1, s25, s25, $0xb8;
	[tilespmem:$0x18400] =	vst v63  }
0x66: {  	_ =	swait.ge [sflag:s18], $0x80  }
0x67: {  	s29 =	smov.u32 s31;
	[sflag:s18] =	ssyncset.done $0x0  }
0x68: {  	s28 =	sadd.s32 s28, s16;
	[sflag:s18] =	ssyncadd.s32 $0xFFFFFF80  }
0x69: {  	[tilespmem:s4], [sflag:$0x3] =	stream.linear.gather [hbm4b:s28+s4], $0x100, $0x38;
	[tilespmem:$0x18400] =	vst v63  }
0x6a: {  	_ =	swait.ge [sflag:s18], $0x100  }
0x6b: {  	[sflag:s18] =	ssyncset.done $0x0  }
0x6c: {  	[sflag:s18] =	ssyncadd.s32 $0xFFFFFF00  }
0x6d: {  	[tilespmem:s21], [sflag:$0x1] =	stream.indirect.gather [hbm4b:s5+s20], $0x80, s4, s20, $0xb8;
	[tilespmem:$0x18400] =	vst v63  }
0x6e: {  	_ = 	snop  }
0x6f: {  	[tilespmem:s22], [sflag:$0x2] =	stream.indirect.gather [hbm4b:s5+s20], $0x80, s20, s20, $0xb8;
	[tilespmem:$0x18400] =	vst v63  }
0x70: {  	_ =	swait.ge [sflag:s23], $0x2000  }
0x71: {  	[sflag:s23] =	ssyncset.done $0x0  }
0x72: {  	[sflag:s23] =	ssyncadd.s32 $0xFFFFE000  }
0x73: {  	_ =	swait.ge [sflag:s24], $0x2000  }
0x74: {  	[sflag:s24] =	ssyncset.done $0x0  }
0x75: {  	[sflag:s24] =	ssyncadd.s32 $0xFFFFE000  }
0x76: {  	[spmem:s2] =	stream.indirect.scatter.add.f32 [tilespmem:s21], [sflag:$0x3], $0x80, s25, s25, $0xb8;
	[tilespmem:$0x18400] =	vst v63  }
0x77: {  	_ =	swait.ge [sflag:s18], $0x4000  }
0x78: {  	[sflag:s18] =	ssyncset.done $0x0  }
0x79: {  	[sflag:s18] =	ssyncadd.s32 $0xFFFFC000  }
0x7a: {  	[spmem:s3] =	stream.indirect.scatter.add.f32 [tilespmem:s19], [sflag:$0x3], $0x1, s25, s25, $0xb8;
	[tilespmem:$0x18400] =	vst v63  }
0x7b: {  	_ =	swait.ge [sflag:s18], $0x80  }
0x7c: {  	[sflag:s18] =	ssyncset.done $0x0  }
0x7d: {  	[sflag:s18] =	ssyncadd.s32 $0xFFFFFF80  }
0x7e: {  	[bflag:$0x0] =	sbarrier.arrive $0xFFFF  }
0x7f: {  	[hbm:s13], [sflag:s8] =	dma.local [spmem:s17], $0x2800  }
0x80: {  	s26 =	sadd.s32 $0x1, s26;
	_ =	swait.ge [sflag:s18], $0x2800  }
0x81: {  	p0 =	sne.s32 s26, s15;
	[sflag:s18] =	ssyncset.done $0x0  }
.Ltmp1:
0x82: {  	s31 =	sshrl.u32 s6, $0x3;
	[sflag:s18] =	ssyncadd.s32 $0xFFFFD800;
	(pc) =	sbr.rel @p0 .LBB2_1-.Ltmp1, $4  }
0x83: {  	[hbm:s14], [sflag:s8] =	dma.local [spmem:s31], $0x50  }
0x84: {  	_ =	swait.ge [sflag:s18], $0x50  }
0x85: {  	[sflag:s18] =	ssyncset.done $0x0  }
0x86: {  	[sflag:s18] =	ssyncadd.s32 $0xFFFFFFB0  }
0x87: {  	_ =	sfence.sel $0x180000  }
0x88: {  	[bflag:$0x0] =	sbarrier.arrive $0xFFFF  }
0x89: {  	p0 =	sne.s32 s0, $0x0;
	_ =	strace $0x90000047  }
0x8a: {  	s0 =	sadd.s32 @!p0 $0x100000, s1;
	[bflag:$0x2] =	sbarrier.arrive $0xFFFF  }
0x8b: {  	[sflag:s0] =	ssyncadd.tile.s32 @!p0 $0x1;
	_ =	shalt  }
.Lfunc_end2:
_tile_overlayer_lowered:
.L_overlay_start_2:
0x8c: {  	(tag) =	ssettag $0x2  }
0x8d: {  	s0 =	rddreg [dreg:$0x0];
	s2 =	stileid.u32  }
0x8e: {  	s1 =	rddreg [dreg:$0x1];
	p0 =	sne.s32 s2, $0x0  }
0x8f: {  	s3 =	rddreg [dreg:$0x2];
	[bflag:$0x3] =	sbarrier.arrive $0xFFFF;
	s2 =	simm.s32 @!p0 $0x1C03  }
0x90: {  	[timem:s3], [sflag:s2] =	dma.local @!p0 [hbm:s0], s1  }
0x91: {  	s0 =	simm.s32 @!p0 $0x3  }
0x92: {  	_ =	swait.ge @!p0 [sflag:s0], s1  }
0x93: {  	s1 =	ssub.s32 @!p0 $0x0, s1;
	[sflag:s0] =	ssyncset.done @!p0 $0x0  }
0x94: {  	[sflag:s0] =	ssyncadd.s32 @!p0 s1  }
0x95: {  	[bflag:$0x3] =	sbarrier.arrive $0xFFFF  }
0x96: {  	_ =	shalt  }

// kernel: kernel.9.cloned.1.call-start
scs
__scs_entry_jumppad:
0x0: {  	(pc) =	sbr.rel $0x88, $3  }
0x1: {  	(tag) =	ssettag $0x0;
	lr =	simm.s32 $0x1  }
0x2: {  	[smem:$0x3F97] =	sst lr;
	_ =	strace $0xD0000000  }
0x3: {  	_ = 	snop  }
0x4: {  	_ = 	snop  }
0x5: {  	_ = 	snop  }
0x6: {  	_ = 	snop  }
0x7: {  	_ = 	snop  }
__scs_overlays_trampoline_lowered:
0x8: {  	[smem:$0x3FA6] =	sst s0  }
0x9: {  	[smem:$0x3FA7] =	sst s1  }
0xa: {  	[smem:$0x3FA8] =	sst s2  }
0xb: {  	[smem:$0x3FA9] =	sst s3  }
0xc: {  	[smem:$0x3FAA] =	sst s4  }
0xd: {  	[smem:$0x3FAB] =	sst s5  }
0xe: {  	[smem:$0x3FAC] =	sst s6  }
0xf: {  	[smem:$0x3FAD] =	sst s7  }
0x10: {  	[smem:$0x3FAE] =	sst s8  }
0x11: {  	[smem:$0x3FAF] =	sst s9;
	s0 =	simm.s32 @!p0 $0x0  }
0x12: {  	s1 =	sld [smem:$0x3F95];
	s0 =	simm.s32 @p0 $0x1  }
0x13: {  	[smem:$0x3FB0] =	sst s0;
	s0 =	simm.s32 @!p1 $0x0  }
0x14: {  	s2 =	sld [smem:$0x3F94];
	s0 =	simm.s32 @p1 $0x1  }
0x15: {  	[smem:$0x3FB1] =	sst s0;
	s0 =	simm.s32 @!p2 $0x0  }
0x16: {  	s3 =	sld [smem:$0x3FDB];
	s0 =	simm.s32 @p2 $0x1  }
0x17: {  	s4 =	simm.s32 $0x1BF5;
	[smem:$0x3FB3] =	sst s0  }
0x18: {  	s0 =	sld [smem:$0x3F96];
	_ =	swait.ge [sflag:s4], $0x0  }
0x19: {  	s7 =	sld [smem:$0x3F97]  }
0x1a: {  	s8 =	sadd.s32 $0xFFFFE003, lr  }
0x1b: {  	s9 =	sadd.s32 $0xFFFFFEF7, lr;
	s5 =	simm.s32 $0xFFFFFFFF;
	p2 =	slt.u32 s8, $0xFFFFF086  }
0x1c: {  	p1 =	slt.u32 s9, $0xF7A;
	s5 =	simm.s32 @!p2 $0x0  }
0x1d: {  	s5 =	simm.s32 @p1 $0x1;
	p0 =	seq.s32 s7, s2  }
0x1e: {  	s7 =	smul.u32 @!p0 $0xF7A, s2;
	p2 =	seq.s32 @!p0 s5, $0x0  }
0x1f: {  	s9 =	smul.u32 $0xF7A, s1;
	s8 =	simm.s32 @!p0 $0x1BF5;
	p2 =	por !p2, p0  }
0x20: {  	[sflag:s8] =	ssyncset.s32 @!p0 $0xFFFFF086;
	s6 =	sadd.s32 @!p0 s3, s7;
	s7 =	simm.s32 @!p0 $0x108  }
0x21: {  	s3 =	sadd.s32 s3, s9;
	s6 =	sadd.s32 @!p0 $0x88, s6;
	s7 =	simm.s32 @p2 $0x1082  }
0x22: {  	[simem:s7], [sflag:s8] =	dma.local @!p0 [hbm:s6], $0xF7A  }
0x23: {  	s9 =	sor.u32 $0xD0000000, s2;
	s6 =	simm.s32 $0x108;
	_ =	swait.ge @!p0 [sflag:s8], $0x0  }
0x24: {  	s3 =	sadd.s32 $0x88, s3;
	s6 =	simm.s32 @!p1 $0x1082;
	[sflag:s4] =	ssyncset.s32 $0xFFFFF086  }
0x25: {  	[simem:s6], [sflag:s4] =	dma.local [hbm:s3], $0xF7A  }
0x26: {  	[smem:$0x3F97] =	sst s1;
	(tag) =	ssettag s2;
	_ =	strace s9  }
0x27: {  	s1 =	sld [smem:$0x3FA7]  }
0x28: {  	s2 =	sld [smem:$0x3FA8]  }
0x29: {  	s4 =	sld [smem:$0x3FAA]  }
0x2a: {  	p0 =	seq.s32 s5, $0x0;
	s5 =	sld [smem:$0x3FAB]  }
0x2b: {  	s6 =	sld [smem:$0x3FAC]  }
0x2c: {  	s7 =	sld [smem:$0x3FAD]  }
0x2d: {  	s3 =	simm.s32 $0x108;
	s8 =	sld [smem:$0x3FAE]  }
0x2e: {  	s3 =	simm.s32 @!p0 $0x1082;
	s9 =	sld [smem:$0x3FAF]  }
0x2f: {  	lr =	sadd.s32 s0, s3;
	s0 =	sld [smem:$0x3FA6]  }
0x30: {  	s3 =	sld [smem:$0x3FA9]  }
0x31: {  	[smem:$0x3FB2] =	sst s10  }
0x32: {  	s10 =	sld [smem:$0x3FB0];
	_ =	sdelay $0x3  }
0x33: {  	p0 =	seq.s32 s10, $0x1;
	s10 =	sld [smem:$0x3FB2];
	_ =	sdelay $0x3  }
0x34: {  	[smem:$0x3FB2] =	sst s10  }
0x35: {  	s10 =	sld [smem:$0x3FB1];
	_ =	sdelay $0x3  }
0x36: {  	p1 =	seq.s32 s10, $0x1;
	s10 =	sld [smem:$0x3FB2];
	_ =	sdelay $0x3  }
0x37: {  	[smem:$0x3FB2] =	sst s10  }
0x38: {  	s10 =	sld [smem:$0x3FB3]  }
0x39: {  	_ = 	snop;
	(pc) =	sbr.ind lr, $3  }
0x3a: {  	_ = 	snop  }
0x3b: {  	_ = 	snop  }
0x3c: {  	p2 =	seq.s32 s10, $0x1;
	s10 =	sld [smem:$0x3FB2]  }
0x3d: {  	_ =	shalt  }
0x3e: {  	_ =	shalt  }
0x3f: {  	_ =	shalt  }
0x40: {  	_ =	shalt  }
0x41: {  	_ =	shalt  }
0x42: {  	_ =	shalt  }
0x43: {  	_ =	shalt  }
0x44: {  	_ =	shalt  }
0x45: {  	_ =	shalt  }
0x46: {  	_ =	shalt  }
0x47: {  	_ =	shalt  }
0x48: {  	_ =	shalt  }
0x49: {  	_ =	shalt  }
0x4a: {  	_ =	shalt  }
0x4b: {  	_ =	shalt  }
0x4c: {  	_ =	shalt  }
0x4d: {  	_ =	shalt  }
0x4e: {  	_ =	shalt  }
0x4f: {  	_ =	shalt  }
0x50: {  	_ =	shalt  }
0x51: {  	_ =	shalt  }
0x52: {  	_ =	shalt  }
0x53: {  	_ =	shalt  }
0x54: {  	_ =	shalt  }
0x55: {  	_ =	shalt  }
0x56: {  	_ =	shalt  }
0x57: {  	_ =	shalt  }
0x58: {  	_ =	shalt  }
0x59: {  	_ =	shalt  }
0x5a: {  	_ =	shalt  }
0x5b: {  	_ =	shalt  }
0x5c: {  	_ =	shalt  }
0x5d: {  	_ =	shalt  }
0x5e: {  	_ =	shalt  }
0x5f: {  	_ =	shalt  }
0x60: {  	_ =	shalt  }
0x61: {  	_ =	shalt  }
0x62: {  	_ =	shalt  }
0x63: {  	_ =	shalt  }
0x64: {  	_ =	shalt  }
0x65: {  	_ =	shalt  }
0x66: {  	_ =	shalt  }
0x67: {  	_ =	shalt  }
0x68: {  	_ =	shalt  }
0x69: {  	_ =	shalt  }
0x6a: {  	_ =	shalt  }
0x6b: {  	_ =	shalt  }
0x6c: {  	_ =	shalt  }
0x6d: {  	_ =	shalt  }
0x6e: {  	_ =	shalt  }
0x6f: {  	_ =	shalt  }
0x70: {  	_ =	shalt  }
0x71: {  	_ =	shalt  }
0x72: {  	_ =	shalt  }
0x73: {  	_ =	shalt  }
0x74: {  	_ =	shalt  }
0x75: {  	_ =	shalt  }
0x76: {  	_ =	shalt  }
0x77: {  	_ =	shalt  }
0x78: {  	_ =	shalt  }
0x79: {  	_ =	shalt  }
0x7a: {  	_ =	shalt  }
0x7b: {  	_ =	shalt  }
0x7c: {  	_ =	shalt  }
0x7d: {  	_ =	shalt  }
0x7e: {  	_ =	shalt  }
0x7f: {  	_ =	shalt  }
0x80: {  	_ =	shalt  }
0x81: {  	_ =	shalt  }
0x82: {  	_ =	shalt  }
0x83: {  	_ =	shalt  }
0x84: {  	_ =	shalt  }
0x85: {  	_ =	shalt  }
0x86: {  	_ =	shalt  }
0x87: {  	_ =	shalt  }
.Lfunc_end0:
.L_simem_size_0:
called_computation.1_lowered:
.L_overlay_start_0:
0x88: {  	s2 =	sld [smem:$0x3FD9]  }
0x89: {  	s3 =	sld [smem:$0x3FFE];
	_ =	sdelay $0x1  }
0x8a: {  	s1 =	srdreg.scid  }
0x8b: {  	s0 =	sand.u32 $0x1, s1  }
0x8c: {  	s17 =	sshll.u32 s0, $0xA;
	s2 =	sadd.s32 s3, s2  }
0x8d: {  	s2 =	sadd.s32 s2, s17  }
0x8e: {  	[smem:$0x3FBE] =	sst s2  }
0x8f: {  	_ = 	snop  }
0x90: {  	s2 =	sld [smem:$0x3FD0];
	(tm) =	ssettm $0x1  }
0x91: {  	s18 =	sld [smem:$0x3FFB];
	_ =	sdelay $0x3  }
0x92: {  	_ =	strace s18  }
0x93: {  	s3 =	sld [smem:$0x3FFC];
	_ =	sdelay $0x3  }
0x94: {  	_ =	strace s3  }
0x95: {  	s3 =	sld [smem:$0x3FFD];
	_ =	sdelay $0x3  }
0x96: {  	_ =	strace s3  }
0x97: {  	_ =	strace $0x8FFFFFFF  }
0x98: {  	s19 =	sld [smem:$0x3FDB];
	_ =	sdelay $0x1  }
0x99: {  	s4 =	simm.s32 $_scs_section_size  }
0x9a: {  	s5 =	simm.s32 $_size__tile_overlayer_lowered;
	s6 =	simm.s32 $_tile_overlayer_lowered  }
0x9b: {  	s22 =	simm.s32 $0x1BFF;
	s21 =	sshll.u32 s6, $0x1;
	s3 =	sadd.s32 s4, s19  }
0x9c: {  	s7 =	simm.s32 $0x0;
	s20 =	sshll.u32 s5, $0x1;
	s5 =	sadd.s32 s21, s3  }
0x9d: {  	[timem:s7], [sflag:s22] =	dma.local [hbm:s5], s20  }
0x9e: {  	_ =	swait.ge [sflag:s22], s20  }
0x9f: {  	s4 =	ssub.s32 $0x0, s20;
	[sflag:s22] =	ssyncset.done $0x0  }
0xa0: {  	[sflag:s22] =	ssyncadd.s32 s4;
	_ =	sdelay $0x1  }
0xa1: {  	s23 =	simm.s32 $0x1B8B  }
0xa2: {  	_ =	swait.ge [sflag:s23], $0x1  }
0xa3: {  	[sflag:s23] =	ssyncset.done $0x0  }
0xa4: {  	s25 =	simm.s32 $0x1B8E;
	s24 =	sld [smem:$0x3FFE];
	[sflag:s23] =	ssyncadd.s32 $0xFFFFFFFF  }
0xa5: {  	s26 =	simm.s32 $execute0_lowered;
	[smem:$0x3FD2] =	sst s25  }
0xa6: {  	s5 =	sshll.u32 s26, $0x1;
	_ =	strace $0x80000049;
	[dreg:$0x1] =	wrdreg $0xFFFFFFFF  }
0xa7: {  	s28 =	simm.s32 $_size_execute0_lowered;
	s3 =	sadd.s32 s3, s5;
	[dreg:$0x0] =	wrdreg $0x0  }
0xa8: {  	s5 =	sshll.u32 s28, $0x1;
	[dreg:$0x2] =	wrdreg s3  }
0xa9: {  	[dreg:$0x3] =	wrdreg s5  }
0xaa: {  	[dreg:$0x4] =	wrdreg $0xC0  }
0xab: {  	_ =	task [dreg:s7], $0x5FFFF  }
0xac: {  	[dreg:$0x1] =	wrdreg $0xFFFFFFFF  }
0xad: {  	[dreg:$0x0] =	wrdreg $0x60  }
0xae: {  	[dreg:$0x2] =	wrdreg s24  }
0xaf: {  	[dreg:$0x3] =	wrdreg s2  }
0xb0: {  	[dreg:$0x4] =	wrdreg $0x41000  }
0xb1: {  	[dreg:$0x5] =	wrdreg $0x9  }
0xb2: {  	_ =	task.clear_ibuf [dreg:s7], $0x6FFFF;
	_ =	strace $0x90000049  }
0xb3: {  	s29 =	simm.s32 $0x9;
	_ =	strace $0x8000004B  }
0xb4: {  	_ =	swait.ge [sflag:s29], $0x1  }
0xb5: {  	[sflag:s29] =	ssyncadd.s32 $0xFFFFFFFF  }
0xb6: {  	_ =	strace $0x9000004B  }
0xb7: {  	_ =	sfence  }
0xb8: {  	s30 =	sld [smem:$0x0];
	_ =	sdelay $0x2  }
0xb9: {  	s31 =	sshll.u32 s1, $0xD;
	s1 =	sshrl.u32 s1, $0x2  }
0xba: {  	s3 =	sand.u32 $0x4000, s31;
	s1 =	sadd.s32 s1, s30  }
0xbb: {  	s0 =	sor.u32 s3, s0;
	s1 =	sshll.u32 s1, $0x11  }
0xbc: {  	s0 =	sor.u32 s1, s0  }
0xbd: {  	s0 =	sadd.s32 $0x8F2B, s0  }
0xbe: {  	[sflag:s0] =	ssyncadd.remote.s32 $0x1  }
0xbf: {  	_ =	sfence.sel $0xFFFF  }
0xc0: {  	[dreg:$0x0] =	wrdreg $0xFFFFFFFF;
	(pc) =	sbr.abs _section_cstart, $3  }
0xc1: {  	[dreg:$0x1] =	wrdreg $0xFFFFFFFF  }
0xc2: {  	_ =	task.clear_ibuf [dreg:s7], $0x2FFFF;
	_ =	strace $0x9FFFFFFF  }
0xc3: {  	(tm) =	ssettm $0x7FFFFFFF  }
tec
execute0_lowered:
.L_overlay_start_1:
0x0: {  	(tag) =	ssettag $0x1  }
0x1: {  	s5 =	rddreg [dreg:$0x0]  }
0x2: {  	s9 =	rddreg [dreg:$0x1]  }
0x3: {  	s2 =	rddreg [dreg:$0x2]  }
0x4: {  	s0 =	rddreg [dreg:$0x3];
	s3 =	simm.s32 $0x0;
	s1 =	stileid.u32  }
0x5: {  	s4 =	srdreg.scid;
	s14 =	simm.s32 $0x2100;
	s15 =	simm.s32 $0x1  }
0x6: {  	s16 =	simm.s32 $0x2;
	s17 =	simm.s32 $0x80;
	s6 =	smul.u32 $0x2800, s1  }
0x7: {  	s18 =	simm.s32 $0x0;
	[smem:$0x7FF] =	sst s3;
	s11 =	smul.u32 $0x50000, s1  }
0x8: {  	s7 =	sand.u32 $0x1, s4;
	s4 =	sadd.s32 $0x2800, s5;
	s13 =	smul.u32 $0x4F, s1  }
0x9: {  	s30 =	sshll.u32 s1, $0x6;
	s8 =	smul.u32 $0x28000, s7;
	s10 =	ssub.s32 $0x2, s7  }
0xa: {  	_ =	strace $0x8000004A;
	p0 =	seq.s32 s7, $0x0;
	s12 =	sshrl.u32 s10, $0x1  }
0xb: {  	s29 =	sshrl.u32 s11, $0x2;
	s7 =	sadd.s32 $0x4F0, s13;
	s8 =	sadd.s32 s6, s8  }
0xc: {  	s6 =	sadd.s32 s6, s5;
	s10 =	ssub.s32 s10, s12;
	s11 =	sadd.s32 s29, s2  }
0xd: {  	s7 =	smov.u32 @p0 s13;
	s12 =	simm.s32 $0x40;
	s13 =	simm.s32 $0x100  }
0xe: {  	s8 =	sadd.s32 s8, s5;
	s5 =	sadd.s32 $0x2A800, s6;
	s6 =	sor.u32 $0x1C03, s30  }
0xf: {  	s31 =	sshll.u32 s7, $0x5;
	s7 =	sadd.s32 $0x52800, s8;
	s8 =	smax.u32 s10, $0x1  }
0x10: {  	s9 =	sadd.s32 s31, s9;
	s10 =	sshrl.u32 s11, $0x3;
	s11 =	simm.s32 $0x3  }
.LBB2_1:
0x11: {  	[spmem:s10], [sflag:s6] =	dma.local [hbm:s5], $0x2800  }
0x12: {  	_ =	swait.ge [sflag:s11], $0x2800  }
0x13: {  	[sflag:s11] =	ssyncset.done $0x0  }
0x14: {  	[sflag:s11] =	ssyncadd.s32 $0xFFFFD800  }
0x15: {  	s19 =	sadd.s32 $0x0, s9;
	[bflag:$0x0] =	sbarrier.arrive $0xFFFF  }
0x16: {  	[tilespmem:s3], [sflag:$0x3] =	stream.linear.gather [hbm4b:s19+s3], $0x100, $0x38;
	[tilespmem:$0x18100] =	vst v63  }
0x17: {  	_ =	swait.ge [sflag:s11], $0x100  }
0x18: {  	[sflag:s11] =	ssyncset.done $0x0  }
0x19: {  	[sflag:s11] =	ssyncadd.s32 $0xFFFFFF00  }
0x1a: {  	[tilespmem:s13], [sflag:$0x1] =	stream.indirect.gather [hbm4b:s4+s12], $0x80, s3, s12, $0xb8;
	[tilespmem:$0x18100] =	vst v63  }
0x1b: {  	_ = 	snop  }
0x1c: {  	[tilespmem:s14], [sflag:$0x2] =	stream.indirect.gather [hbm4b:s4+s12], $0x80, s12, s12, $0xb8;
	[tilespmem:$0x18100] =	vst v63  }
0x1d: {  	_ =	swait.ge [sflag:s15], $0x2000  }
0x1e: {  	[sflag:s15] =	ssyncset.done $0x0  }
0x1f: {  	[sflag:s15] =	ssyncadd.s32 $0xFFFFE000  }
0x20: {  	_ =	swait.ge [sflag:s16], $0x2000  }
0x21: {  	[sflag:s16] =	ssyncset.done $0x0  }
0x22: {  	[sflag:s16] =	ssyncadd.s32 $0xFFFFE000  }
0x23: {  	[spmem:s2] =	stream.indirect.scatter.add.f32 [tilespmem:s13], [sflag:$0x3], $0x80, s17, s17, $0xb8;
	[tilespmem:$0x18100] =	vst v63  }
0x24: {  	_ =	swait.ge [sflag:s11], $0x4000  }
0x25: {  	s20 =	simm.s32 $0x40;
	s19 =	simm.s32 $0x20;
	[sflag:s11] =	ssyncset.done $0x0  }
.LBB2_2:
0x26: {  	s21 =	sadd.s32 s19, s9  }
0x27: {  	[sflag:s11] =	ssyncadd.s32 $0xFFFFC000;
	s19 =	smov.u32 s20;
	s22 =	sadd.s32 $0x20, s20  }
0x28: {  	[tilespmem:s3], [sflag:$0x3] =	stream.linear.gather [hbm4b:s21+s3], $0x100, $0x38;
	[tilespmem:$0x18100] =	vst v63  }
0x29: {  	p0 =	sne.s32 s20, $0x9C0;
	_ =	swait.ge [sflag:s11], $0x100  }
0x2a: {  	[sflag:s11] =	ssyncset.done $0x0  }
0x2b: {  	[sflag:s11] =	ssyncadd.s32 $0xFFFFFF00  }
0x2c: {  	[tilespmem:s13], [sflag:$0x1] =	stream.indirect.gather [hbm4b:s4+s12], $0x80, s3, s12, $0xb8;
	[tilespmem:$0x18100] =	vst v63  }
0x2d: {  	_ = 	snop  }
0x2e: {  	[tilespmem:s14], [sflag:$0x2] =	stream.indirect.gather [hbm4b:s4+s12], $0x80, s12, s12, $0xb8;
	[tilespmem:$0x18100] =	vst v63  }
0x2f: {  	_ =	swait.ge [sflag:s15], $0x2000  }
0x30: {  	[sflag:s15] =	ssyncset.done $0x0  }
0x31: {  	[sflag:s15] =	ssyncadd.s32 $0xFFFFE000  }
0x32: {  	_ =	swait.ge [sflag:s16], $0x2000  }
.Ltmp0:
0x33: {  	[sflag:s16] =	ssyncset.done $0x0;
	(pc) =	sbr.rel @p0 .LBB2_2-.Ltmp0, $4  }
0x34: {  	[sflag:s16] =	ssyncadd.s32 $0xFFFFE000  }
0x35: {  	[spmem:s2] =	stream.indirect.scatter.add.f32 [tilespmem:s13], [sflag:$0x3], $0x80, s17, s17, $0xb8;
	[tilespmem:$0x18100] =	vst v63  }
0x36: {  	_ =	swait.ge [sflag:s11], $0x4000  }
0x37: {  	s20 =	smov.u32 s22;
	[sflag:s11] =	ssyncset.done $0x0  }
0x38: {  	s19 =	sadd.s32 s19, s9;
	[sflag:s11] =	ssyncadd.s32 $0xFFFFC000  }
0x39: {  	[tilespmem:s3], [sflag:$0x3] =	stream.linear.gather [hbm4b:s19+s3], $0x100, $0x38;
	[tilespmem:$0x18100] =	vst v63  }
0x3a: {  	_ =	swait.ge [sflag:s11], $0x100  }
0x3b: {  	[sflag:s11] =	ssyncset.done $0x0  }
0x3c: {  	[sflag:s11] =	ssyncadd.s32 $0xFFFFFF00  }
0x3d: {  	[tilespmem:s13], [sflag:$0x1] =	stream.indirect.gather [hbm4b:s4+s12], $0x80, s3, s12, $0xb8;
	[tilespmem:$0x18100] =	vst v63  }
0x3e: {  	_ = 	snop  }
0x3f: {  	[tilespmem:s14], [sflag:$0x2] =	stream.indirect.gather [hbm4b:s4+s12], $0x80, s12, s12, $0xb8;
	[tilespmem:$0x18100] =	vst v63  }
0x40: {  	_ =	swait.ge [sflag:s15], $0x2000  }
0x41: {  	[sflag:s15] =	ssyncset.done $0x0  }
0x42: {  	[sflag:s15] =	ssyncadd.s32 $0xFFFFE000  }
0x43: {  	_ =	swait.ge [sflag:s16], $0x2000  }
0x44: {  	[sflag:s16] =	ssyncset.done $0x0  }
0x45: {  	[sflag:s16] =	ssyncadd.s32 $0xFFFFE000  }
0x46: {  	[spmem:s2] =	stream.indirect.scatter.add.f32 [tilespmem:s13], [sflag:$0x3], $0x80, s17, s17, $0xb8;
	[tilespmem:$0x18100] =	vst v63  }
0x47: {  	_ =	swait.ge [sflag:s11], $0x4000  }
0x48: {  	s18 =	sadd.s32 $0x1, s18;
	[sflag:s11] =	ssyncset.done $0x0  }
0x49: {  	p0 =	sne.s32 s18, s8;
	[sflag:s11] =	ssyncadd.s32 $0xFFFFC000  }
.Ltmp1:
0x4a: {  	[bflag:$0x0] =	sbarrier.arrive $0xFFFF;
	(pc) =	sbr.rel @p0 .LBB2_1-.Ltmp1, $4  }
0x4b: {  	[hbm:s7], [sflag:s6] =	dma.local [spmem:s10], $0x2800  }
0x4c: {  	_ =	swait.ge [sflag:s11], $0x2800  }
0x4d: {  	[sflag:s11] =	ssyncset.done $0x0  }
0x4e: {  	[sflag:s11] =	ssyncadd.s32 $0xFFFFD800  }
0x4f: {  	_ =	sfence.sel $0x180000  }
0x50: {  	[bflag:$0x0] =	sbarrier.arrive $0xFFFF  }
0x51: {  	p0 =	sne.s32 s1, $0x0;
	_ =	strace $0x9000004A  }
0x52: {  	s0 =	sadd.s32 @!p0 $0x100000, s0;
	[bflag:$0x2] =	sbarrier.arrive $0xFFFF  }
0x53: {  	[sflag:s0] =	ssyncadd.tile.s32 @!p0 $0x1;
	_ =	shalt  }
.Lfunc_end2:
_tile_overlayer_lowered:
.L_overlay_start_2:
0x54: {  	(tag) =	ssettag $0x2  }
0x55: {  	s0 =	rddreg [dreg:$0x0];
	s2 =	stileid.u32  }
0x56: {  	s1 =	rddreg [dreg:$0x1];
	p0 =	sne.s32 s2, $0x0  }
0x57: {  	s3 =	rddreg [dreg:$0x2];
	[bflag:$0x3] =	sbarrier.arrive $0xFFFF;
	s2 =	simm.s32 @!p0 $0x1C03  }
0x58: {  	[timem:s3], [sflag:s2] =	dma.local @!p0 [hbm:s0], s1  }
0x59: {  	s0 =	simm.s32 @!p0 $0x3  }
0x5a: {  	_ =	swait.ge @!p0 [sflag:s0], s1  }
0x5b: {  	s1 =	ssub.s32 @!p0 $0x0, s1;
	[sflag:s0] =	ssyncset.done @!p0 $0x0  }
0x5c: {  	[sflag:s0] =	ssyncadd.s32 @!p0 s1  }
0x5d: {  	[bflag:$0x3] =	sbarrier.arrive $0xFFFF  }
0x5e: {  	_ =	shalt  }

</sc_bundles>
